<compile_context>
chip_gen: v7x
topology: tpu7x:2x2x1
jax: 0.10.2.dev20260603
libtpu: 0.0.44.dev20260713+nightly
codegen_flags: <defaults>
</compile_context>

<pallas_src>
import functools

import jax
import jax.numpy as jnp
from jax import lax
from jax.experimental import pallas as pl
from jax.experimental.pallas import tpu as pltpu
from jax.experimental.pallas import tpu_sc as plsc

N = 10000
E = 320000
D = 128
NPAD = 10240
NC, NS = 2, 16
NW = NC * NS
KB = 128
EROWS = 2560
E_PAD = EROWS * KB
NBUF = 2
RPT = 80
HF = RPT // 2
DEG_ROWS = EROWS // NS
DEG_SLICE = NPAD // NS


def _fill_1d(ref, n, value, dtype):
    def body(i, carry):
        ref[pl.ds(i * 16, 16)] = jnp.full((16,), value, dtype)
        return carry
    lax.fori_loop(0, n // 16, body, 0)


@functools.partial(
    pl.kernel,
    out_type=jax.ShapeDtypeStruct((NC * NPAD,), jnp.float32),
    mesh=plsc.VectorSubcoreMesh(core_axis_name="c", subcore_axis_name="s"),
    scratch_types=[
        pltpu.VMEM_SHARED((NPAD,), jnp.float32),
        pltpu.VMEM((DEG_SLICE,), jnp.float32),
        pltpu.VMEM((KB,), jnp.float32),
        pltpu.VMEM((DEG_ROWS, KB), jnp.int32),
        pltpu.SemaphoreType.DMA,
    ],
)
def _deg_kernel(src_hbm, dst_hbm, out_hbm, degbuf, zbuf, ones, idxbuf, ssem):
    c = lax.axis_index("c")
    s = lax.axis_index("s")
    _fill_1d(zbuf, DEG_SLICE, 0.0, jnp.float32)
    pltpu.sync_copy(zbuf, degbuf.at[pl.ds(s * DEG_SLICE, DEG_SLICE)])
    _fill_1d(ones, KB, 1.0, jnp.float32)

    base = s * DEG_ROWS
    @pl.when(c == 0)
    def _():
        pltpu.sync_copy(src_hbm.at[pl.ds(base, DEG_ROWS)], idxbuf)

    @pl.when(c == 1)
    def _():
        pltpu.sync_copy(dst_hbm.at[pl.ds(base, DEG_ROWS)], idxbuf)

    plsc.subcore_barrier()

    def fire(g, carry):
        def body(j, carry2):
            pltpu.async_copy(ones, degbuf.at[idxbuf.at[g * 16 + j]], ssem,
                             add=True)
            return carry2
        lax.fori_loop(0, 16, body, 0)
        def drain(j, carry2):
            pltpu.make_async_copy(ones, degbuf.at[idxbuf.at[0]], ssem).wait()
            return carry2
        lax.fori_loop(0, 16, drain, 0)
        return carry
    lax.fori_loop(0, DEG_ROWS // 16, fire, 0)

    plsc.subcore_barrier()
    pltpu.sync_copy(degbuf.at[pl.ds(s * DEG_SLICE, DEG_SLICE)],
                    out_hbm.at[pl.ds(c * NPAD + s * DEG_SLICE, DEG_SLICE)])


@functools.partial(
    pl.kernel,
    out_type=jax.ShapeDtypeStruct((NC, NPAD, D), jnp.float32),
    mesh=plsc.VectorSubcoreMesh(core_axis_name="c", subcore_axis_name="s"),
    scratch_types=[
        pltpu.VMEM_SHARED((NPAD, D), jnp.float32),
        pltpu.VMEM((HF, KB), jnp.int32),
        pltpu.VMEM((HF, KB), jnp.int32),
        pltpu.VMEM((KB, D), jnp.float32),
        pltpu.VMEM((KB, D), jnp.float32),
        pltpu.SemaphoreType.DMA,
        pltpu.SemaphoreType.DMA,
        pltpu.SemaphoreType.DMA,
        pltpu.SemaphoreType.DMA,
    ],
)
def _agg_kernel(y_hbm, src_hbm, dst_hbm, out_hbm, aggbuf, sidx, didx,
                r0, r1, g0, g1, s0, s1):
    c = lax.axis_index("c")
    s = lax.axis_index("s")
    rows = (r0, r1)
    gsem = (g0, g1)
    ssem = (s0, s1)

    def zb(i, carry):
        r0[i // 8, pl.ds((i % 8) * 16, 16)] = jnp.zeros((16,), jnp.float32)
        return carry
    lax.fori_loop(0, KB * D // 16, zb, 0)
    for t in range(DEG_SLICE // KB):
        pltpu.sync_copy(r0, aggbuf.at[pl.ds(s * DEG_SLICE + t * KB, KB)])
    plsc.subcore_barrier()

    def run(base, half):
        groups = half // NBUF
        for h in range(2):
            pltpu.sync_copy(src_hbm.at[pl.ds(base + h * half, half)],
                            sidx.at[pl.ds(0, half)])
            pltpu.sync_copy(dst_hbm.at[pl.ds(base + h * half, half)],
                            didx.at[pl.ds(0, half)])

            for b in range(NBUF):
                pltpu.async_copy(y_hbm.at[sidx.at[b]], rows[b], gsem[b])

            def group(gi, carry):
                for b in range(NBUF):
                    j = gi * NBUF + b
                    pltpu.make_async_copy(y_hbm.at[sidx.at[j]], rows[b],
                                          gsem[b]).wait()
                    pltpu.async_copy(rows[b], aggbuf.at[didx.at[j]],
                                     ssem[b], add=True)
                for b in range(NBUF):
                    j = gi * NBUF + b
                    pltpu.make_async_copy(rows[b], aggbuf.at[didx.at[j]],
                                          ssem[b]).wait()
                    pltpu.async_copy(y_hbm.at[sidx.at[j + NBUF]], rows[b],
                                     gsem[b])
                return carry
            lax.fori_loop(0, groups - 1, group, 0)

            jf = (groups - 1) * NBUF
            for b in range(NBUF):
                pltpu.make_async_copy(y_hbm.at[sidx.at[jf + b]], rows[b],
                                      gsem[b]).wait()
                pltpu.async_copy(rows[b], aggbuf.at[didx.at[jf + b]],
                                 ssem[b], add=True)
            for b in range(NBUF):
                pltpu.make_async_copy(rows[b], aggbuf.at[didx.at[jf + b]],
                                      ssem[b]).wait()

    run((c * NS + s) * RPT, HF)

    plsc.subcore_barrier()
    pltpu.sync_copy(aggbuf.at[pl.ds(s * DEG_SLICE, DEG_SLICE)],
                    out_hbm.at[c, pl.ds(s * DEG_SLICE, DEG_SLICE)])


def _scale_body(x_ref, d_ref, y_ref):
    a = lax.rsqrt(jnp.maximum(d_ref[...], 1.0))
    y_ref[...] = x_ref[...] * a


_scale = pl.pallas_call(
    _scale_body,
    grid=(10,),
    in_specs=[
        pl.BlockSpec((NPAD // 10, D), lambda i: (i, 0)),
        pl.BlockSpec((NPAD // 10, 1), lambda i: (i, 0)),
    ],
    out_specs=pl.BlockSpec((NPAD // 10, D), lambda i: (i, 0)),
    out_shape=jax.ShapeDtypeStruct((NPAD, D), jnp.float32),
)


def _mlp_body(p0_ref, p1_ref, d_ref, w1t_ref, b1_ref, w2t_ref, b2_ref, o_ref):
    binv = lax.rsqrt(jnp.maximum(d_ref[...], 1.0))
    agg = (p0_ref[...] + p1_ref[...]) * binv
    h = jnp.dot(agg, w1t_ref[...], preferred_element_type=jnp.float32)
    h = h + b1_ref[...]
    h = 0.5 * h * (1.0 + lax.erf(h * 0.7071067811865476))
    o_ref[...] = (jnp.dot(h, w2t_ref[...], preferred_element_type=jnp.float32)
                  + b2_ref[...])


_mlp = pl.pallas_call(
    _mlp_body,
    grid=(10,),
    in_specs=[
        pl.BlockSpec((NPAD // 10, D), lambda i: (i, 0)),
        pl.BlockSpec((NPAD // 10, D), lambda i: (i, 0)),
        pl.BlockSpec((NPAD // 10, 1), lambda i: (i, 0)),
        pl.BlockSpec((D, D), lambda i: (0, 0)),
        pl.BlockSpec((1, D), lambda i: (0, 0)),
        pl.BlockSpec((D, D), lambda i: (0, 0)),
        pl.BlockSpec((1, D), lambda i: (0, 0)),
    ],
    out_specs=pl.BlockSpec((NPAD // 10, D), lambda i: (i, 0)),
    out_shape=jax.ShapeDtypeStruct((NPAD, D), jnp.float32),
)


def kernel(x, edge_index, W1, b1, W2, b2):
    pad = jnp.full((E_PAD - E,), N, jnp.int32)
    src = jnp.concatenate([edge_index[0].astype(jnp.int32), pad])
    dst = jnp.concatenate([edge_index[1].astype(jnp.int32), pad])
    src = src.reshape(EROWS, KB)
    dst = dst.reshape(EROWS, KB)
    x_pad = jnp.pad(x, ((0, NPAD - N), (0, 0)))
    deg = _deg_kernel(src, dst).reshape(NC, NPAD)
    outdeg = deg[0].reshape(NPAD, 1)
    indeg = deg[1].reshape(NPAD, 1)
    y = _scale(x_pad, outdeg)
    partial = _agg_kernel(y, src, dst)
    out = _mlp(partial[0], partial[1], indeg,
               W1.T, b1.reshape(1, D), W2.T, b2.reshape(1, D))
    return out[:N]

# --- scband reference (transcript-rebuilt; emitter-appended) ---
"""Pipeline reference for scband-gcnmodule-58342835749555 (READ-ONLY COPY).

The authoritative reference and input builder live on the scoring server;
editing this copy changes nothing except your own understanding.
"""

import jax, jax.numpy as jnp
import numpy as np

N_NODES = 10000
N_EDGES = 320000
DIM = 128
HIDDEN = 128

def setup_inputs(seed: int = 0) -> dict:
    key = jax.random.key(seed)
    k_x, k_e, k_w1, k_b1, k_w2, k_b2 = jax.random.split(key, 6)
    x = jax.random.normal(k_x, (N_NODES, DIM), dtype=jnp.float32)
    edge_index = jax.random.randint(k_e, (2, N_EDGES), 0, N_NODES, dtype=jnp.int64)
    lim1 = 1.0 / np.sqrt(DIM)
    W1 = jax.random.uniform(k_w1, (HIDDEN, DIM), minval=-lim1, maxval=lim1, dtype=jnp.float32)
    b1 = jax.random.uniform(k_b1, (HIDDEN,), minval=-lim1, maxval=lim1, dtype=jnp.float32)
    lim2 = 1.0 / np.sqrt(HIDDEN)
    W2 = jax.random.uniform(k_w2, (DIM, HIDDEN), minval=-lim2, maxval=lim2, dtype=jnp.float32)
    b2 = jax.random.uniform(k_b2, (DIM,), minval=-lim2, maxval=lim2, dtype=jnp.float32)
    return {"x": x, "edge_index": edge_index, "W1": W1, "b1": b1, "W2": W2, "b2": b2}

def reference(x, edge_index, W1, b1, W2, b2):
    src = edge_index[0]
    dst = edge_index[1]
    n = x.shape[0]
    # DGL: in_degrees counts incoming edges (dst side), out_degrees counts outgoing (src side)
    out_degrees = jnp.zeros((n,), dtype=jnp.float32).at[src].add(1.0)
    in_degrees = jnp.zeros((n,), dtype=jnp.float32).at[dst].add(1.0)
    # ops.u_mul_v(graph, out_degrees, in_degrees): per-edge product of src out-deg and dst in-deg
    degree_edge_products = out_degrees[src] * in_degrees[dst]
    degree_edge_products = jnp.where(degree_edge_products == 0, 1.0, degree_edge_products)
    norm_coefs = 1.0 / jnp.sqrt(degree_edge_products)
    # ops.u_mul_e_sum: message = x[src] * norm_coef, aggregated by sum at dst
    msgs = x[src] * norm_coefs[:, None]
    agg = jnp.zeros_like(x).at[dst].add(msgs)
    # FeedForwardModule (dropout=0)
    h = agg @ W1.T + b1
    h = jax.nn.gelu(h, approximate=False)
    out = h @ W2.T + b2
    return out

if __name__ == "__main__":
    import jax
    _d = setup_inputs()
    print(jax.jit(kernel)(*tuple(_d.values())))

</pallas_src>

<mosaic_0001>
#map = affine_map<(d0, d1) -> (0, 0)>
#map1 = affine_map<(d0, d1) -> (0)>
module attributes {stable_mosaic.version = 14 : i64} {
  func.func @_deg_kernel(%arg0: i32, %arg1: i32, %arg2: memref<2560x128xi32, #tpu.memory_space<hbm>>, %arg3: memref<2560x128xi32, #tpu.memory_space<hbm>>, %arg4: memref<20480xf32, #tpu.memory_space<hbm>>, %arg5: memref<10240xf32, #tpu.memory_space<vmem_shared>>, %arg6: memref<640xf32, #tpu.memory_space<vmem>>, %arg7: memref<128xf32, #tpu.memory_space<vmem>>, %arg8: memref<160x128xi32, #tpu.memory_space<vmem>>, %arg9: memref<!tpu.dma_semaphore, #tpu.memory_space<semaphore_mem>>) attributes {dimension_semantics = [#tpu.dimension_semantics<core_parallel>, #tpu.dimension_semantics<subcore_parallel>], iteration_bounds = array<i64: 2, 16>, scalar_prefetch = 0 : i64, scratch_operands = 5 : i64, tpu.core_type = #tpu.core_type<sc_vector_subcore>, window_params = [{transform_indices = #map}, {transform_indices = #map}, {transform_indices = #map1}]} {
    %scan3A = arith.constant 0 : i32
    %scan3A_0 = arith.constant 0 : i32
    %scan3A_1 = arith.constant 40 : i32
    %scan3A_2 = arith.addi %scan3A_0, %scan3A_1 : i32
    %scan3A_3 = arith.constant 1 : i32
    scf.for %scan3A_34 = %scan3A_0 to %scan3A_2 step %scan3A_3  : i32 {
      %broadcast_in_dim3A = arith.constant 0.000000e+00 : f32
      %broadcast_in_dim3A_35 = vector.broadcast %broadcast_in_dim3A : f32 to vector<16xf32>
      %mul3A_36 = arith.constant 16 : i32
      %mul3A_37 = arith.muli %scan3A_34, %mul3A_36 : i32
      %swap3A = arith.index_cast %mul3A_37 : i32 to index
      %swap3A_38 = tpu.vector_load %arg6[%swap3A] {strides = array<i32>} : memref<640xf32, #tpu.memory_space<vmem>>, vector<16xf32>,
      %swap3A_39 = vector.shape_cast %swap3A_38 : vector<16xf32> to vector<16xf32>
      %swap3A_40 = vector.shape_cast %broadcast_in_dim3A_35 : vector<16xf32> to vector<16xf32>
      tpu.vector_store %arg6[%swap3A], %swap3A_40 {strides = array<i32>} : memref<640xf32, #tpu.memory_space<vmem>>, vector<16xf32>,
    }
    %scan3A_4 = arith.constant 40 : i32
    %mul3A = arith.constant 640 : i32
    %mul3A_5 = arith.muli %arg1, %mul3A : i32
    "tpu.region"() ({
      %run_scoped3A = tpu.sem_alloc : memref<!tpu.dma_semaphore, #tpu.memory_space<semaphore_mem>>
      %dma_start3A = tpu.memref_slice %arg5[%mul3A_5] : memref<10240xf32, #tpu.memory_space<vmem_shared>> -> memref<640xf32, #tpu.memory_space<vmem_shared>>
      %dma_start3A_34 = tpu.memref_slice %arg5[%mul3A_5] : memref<10240xf32, #tpu.memory_space<vmem_shared>> -> memref<640xf32, #tpu.memory_space<vmem_shared>>
      tpu.enqueue_dma source(%arg6 : memref<640xf32, #tpu.memory_space<vmem>>) target(%dma_start3A_34 : memref<640xf32, #tpu.memory_space<vmem_shared>>) target_semaphore(%run_scoped3A : memref<!tpu.dma_semaphore, #tpu.memory_space<semaphore_mem>>)
      %dma_wait3A = tpu.memref_slice %arg5[%mul3A_5] : memref<10240xf32, #tpu.memory_space<vmem_shared>> -> memref<640xf32, #tpu.memory_space<vmem_shared>>
      %dma_wait3A_35 = tpu.memref_slice %arg5[%mul3A_5] : memref<10240xf32, #tpu.memory_space<vmem_shared>> -> memref<640xf32, #tpu.memory_space<vmem_shared>>
      tpu.wait_dma2 semaphore(%run_scoped3A : memref<!tpu.dma_semaphore, #tpu.memory_space<semaphore_mem>>) src(%arg6 : memref<640xf32, #tpu.memory_space<vmem>>) dst(%dma_wait3A_35 : memref<640xf32, #tpu.memory_space<vmem_shared>>)
      tpu.yield
    }) : () -> ()
    %scan3A_6 = arith.constant 0 : i32
    %scan3A_7 = arith.constant 0 : i32
    %scan3A_8 = arith.constant 8 : i32
    %scan3A_9 = arith.addi %scan3A_7, %scan3A_8 : i32
    %scan3A_10 = arith.constant 1 : i32
    scf.for %scan3A_34 = %scan3A_7 to %scan3A_9 step %scan3A_10  : i32 {
      %broadcast_in_dim3A = arith.constant 1.000000e+00 : f32
      %broadcast_in_dim3A_35 = vector.broadcast %broadcast_in_dim3A : f32 to vector<16xf32>
      %mul3A_36 = arith.constant 16 : i32
      %mul3A_37 = arith.muli %scan3A_34, %mul3A_36 : i32
      %swap3A = arith.index_cast %mul3A_37 : i32 to index
      %swap3A_38 = tpu.vector_load %arg7[%swap3A] {strides = array<i32>} : memref<128xf32, #tpu.memory_space<vmem>>, vector<16xf32>,
      %swap3A_39 = vector.shape_cast %swap3A_38 : vector<16xf32> to vector<16xf32>
      %swap3A_40 = vector.shape_cast %broadcast_in_dim3A_35 : vector<16xf32> to vector<16xf32>
      tpu.vector_store %arg7[%swap3A], %swap3A_40 {strides = array<i32>} : memref<128xf32, #tpu.memory_space<vmem>>, vector<16xf32>,
    }
    %scan3A_11 = arith.constant 8 : i32
    %mul3A_12 = arith.constant 160 : i32
    %mul3A_13 = arith.muli %arg1, %mul3A_12 : i32
    %eq3A = arith.constant 0 : i32
    %eq3A_14 = arith.cmpi eq, %arg0, %eq3A : i32
    %convert_element_type3A = arith.extui %eq3A_14 : i1 to i32
    %cond3A = arith.constant 0 : i32
    %cond3A_15 = arith.cmpi ne, %convert_element_type3A, %cond3A : i32
    scf.if %cond3A_15 {
      "tpu.region"() ({
        %run_scoped3A = tpu.sem_alloc : memref<!tpu.dma_semaphore, #tpu.memory_space<semaphore_mem>>
        %dma_start3A = arith.constant 0 : i32
        %dma_start3A_34 = tpu.memref_slice %arg2[%mul3A_13, %dma_start3A] : memref<2560x128xi32, #tpu.memory_space<hbm>> -> memref<160x128xi32, #tpu.memory_space<hbm>>
        %dma_start3A_35 = arith.constant 0 : i32
        %dma_start3A_36 = tpu.memref_slice %arg2[%mul3A_13, %dma_start3A_35] : memref<2560x128xi32, #tpu.memory_space<hbm>> -> memref<160x128xi32, #tpu.memory_space<hbm>>
        tpu.enqueue_dma source(%dma_start3A_36 : memref<160x128xi32, #tpu.memory_space<hbm>>) target(%arg8 : memref<160x128xi32, #tpu.memory_space<vmem>>) target_semaphore(%run_scoped3A : memref<!tpu.dma_semaphore, #tpu.memory_space<semaphore_mem>>)
        %dma_wait3A = arith.constant 0 : i32
        %dma_wait3A_37 = tpu.memref_slice %arg2[%mul3A_13, %dma_wait3A] : memref<2560x128xi32, #tpu.memory_space<hbm>> -> memref<160x128xi32, #tpu.memory_space<hbm>>
        %dma_wait3A_38 = arith.constant 0 : i32
        %dma_wait3A_39 = tpu.memref_slice %arg2[%mul3A_13, %dma_wait3A_38] : memref<2560x128xi32, #tpu.memory_space<hbm>> -> memref<160x128xi32, #tpu.memory_space<hbm>>
        tpu.wait_dma2 semaphore(%run_scoped3A : memref<!tpu.dma_semaphore, #tpu.memory_space<semaphore_mem>>) src(%dma_wait3A_39 : memref<160x128xi32, #tpu.memory_space<hbm>>) dst(%arg8 : memref<160x128xi32, #tpu.memory_space<vmem>>)
        tpu.yield
      }) : () -> ()
    } else {
    }
    %eq3A_16 = arith.constant 1 : i32
    %eq3A_17 = arith.cmpi eq, %arg0, %eq3A_16 : i32
    %convert_element_type3A_18 = arith.extui %eq3A_17 : i1 to i32
    %cond3A_19 = arith.constant 0 : i32
    %cond3A_20 = arith.cmpi ne, %convert_element_type3A_18, %cond3A_19 : i32
    scf.if %cond3A_20 {
      "tpu.region"() ({
        %run_scoped3A = tpu.sem_alloc : memref<!tpu.dma_semaphore, #tpu.memory_space<semaphore_mem>>
        %dma_start3A = arith.constant 0 : i32
        %dma_start3A_34 = tpu.memref_slice %arg3[%mul3A_13, %dma_start3A] : memref<2560x128xi32, #tpu.memory_space<hbm>> -> memref<160x128xi32, #tpu.memory_space<hbm>>
        %dma_start3A_35 = arith.constant 0 : i32
        %dma_start3A_36 = tpu.memref_slice %arg3[%mul3A_13, %dma_start3A_35] : memref<2560x128xi32, #tpu.memory_space<hbm>> -> memref<160x128xi32, #tpu.memory_space<hbm>>
        tpu.enqueue_dma source(%dma_start3A_36 : memref<160x128xi32, #tpu.memory_space<hbm>>) target(%arg8 : memref<160x128xi32, #tpu.memory_space<vmem>>) target_semaphore(%run_scoped3A : memref<!tpu.dma_semaphore, #tpu.memory_space<semaphore_mem>>)
        %dma_wait3A = arith.constant 0 : i32
        %dma_wait3A_37 = tpu.memref_slice %arg3[%mul3A_13, %dma_wait3A] : memref<2560x128xi32, #tpu.memory_space<hbm>> -> memref<160x128xi32, #tpu.memory_space<hbm>>
        %dma_wait3A_38 = arith.constant 0 : i32
        %dma_wait3A_39 = tpu.memref_slice %arg3[%mul3A_13, %dma_wait3A_38] : memref<2560x128xi32, #tpu.memory_space<hbm>> -> memref<160x128xi32, #tpu.memory_space<hbm>>
        tpu.wait_dma2 semaphore(%run_scoped3A : memref<!tpu.dma_semaphore, #tpu.memory_space<semaphore_mem>>) src(%dma_wait3A_39 : memref<160x128xi32, #tpu.memory_space<hbm>>) dst(%arg8 : memref<160x128xi32, #tpu.memory_space<vmem>>)
        tpu.yield
      }) : () -> ()
    } else {
    }
    %barrier3A = arith.constant 0 : index
    tpu.barrier barrier_id(%barrier3A)
    %scan3A_21 = arith.constant 0 : i32
    %scan3A_22 = arith.constant 0 : i32
    %scan3A_23 = arith.constant 10 : i32
    %scan3A_24 = arith.addi %scan3A_22, %scan3A_23 : i32
    %scan3A_25 = arith.constant 1 : i32
    scf.for %scan3A_34 = %scan3A_22 to %scan3A_24 step %scan3A_25  : i32 {
      %scan3A_35 = arith.constant 0 : i32
      %scan3A_36 = arith.constant 0 : i32
      %scan3A_37 = arith.constant 16 : i32
      %scan3A_38 = arith.addi %scan3A_36, %scan3A_37 : i32
      %scan3A_39 = arith.constant 1 : i32
      scf.for %scan3A_47 = %scan3A_36 to %scan3A_38 step %scan3A_39  : i32 {
        %mul3A_48 = arith.constant 16 : i32
        %mul3A_49 = arith.muli %scan3A_34, %mul3A_48 : i32
        %add3A_50 = arith.addi %mul3A_49, %scan3A_47 : i32
        %dma_start3A = arith.constant 0 : i32
        %dma_start3A_51 = tpu.memref_slice %arg8[%add3A_50, %dma_start3A] : memref<160x128xi32, #tpu.memory_space<vmem>> -> memref<1x128xi32, #tpu.memory_space<vmem>>
        %dma_start3A_52 = tpu.memref_squeeze %dma_start3A_51 : memref<1x128xi32, #tpu.memory_space<vmem>> -> memref<128xi32, #tpu.memory_space<vmem>>
        %dma_start3A_53 = arith.constant 0 : i32
        %dma_start3A_54 = tpu.memref_slice %arg5[%dma_start3A_53] : memref<10240xf32, #tpu.memory_space<vmem_shared>> -> memref<10240xf32, #tpu.memory_space<vmem_shared>>
        tpu.enqueue_indirect_dma source(%arg7 : memref<128xf32, #tpu.memory_space<vmem>>) target(%dma_start3A_54 : memref<10240xf32, #tpu.memory_space<vmem_shared>>) offsets(%dma_start3A_52 : memref<128xi32, #tpu.memory_space<vmem>>) semaphore(%arg9 : memref<!tpu.dma_semaphore, #tpu.memory_space<semaphore_mem>>) {add = true}
      }
      %scan3A_40 = arith.constant 16 : i32
      %scan3A_41 = arith.constant 0 : i32
      %scan3A_42 = arith.constant 0 : i32
      %scan3A_43 = arith.constant 16 : i32
      %scan3A_44 = arith.addi %scan3A_42, %scan3A_43 : i32
      %scan3A_45 = arith.constant 1 : i32
      scf.for %scan3A_47 = %scan3A_42 to %scan3A_44 step %scan3A_45  : i32 {
        %dma_wait3A = arith.constant 0 : i32
        %dma_wait3A_48 = arith.constant 0 : i32
        %dma_wait3A_49 = tpu.memref_slice %arg8[%dma_wait3A, %dma_wait3A_48] : memref<160x128xi32, #tpu.memory_space<vmem>> -> memref<1x128xi32, #tpu.memory_space<vmem>>
        %dma_wait3A_50 = tpu.memref_squeeze %dma_wait3A_49 : memref<1x128xi32, #tpu.memory_space<vmem>> -> memref<128xi32, #tpu.memory_space<vmem>>
        %dma_wait3A_51 = arith.constant 0 : i32
        %dma_wait3A_52 = tpu.memref_slice %arg5[%dma_wait3A_51] : memref<10240xf32, #tpu.memory_space<vmem_shared>> -> memref<10240xf32, #tpu.memory_space<vmem_shared>>
        tpu.wait_indirect_dma semaphore(%arg9 : memref<!tpu.dma_semaphore, #tpu.memory_space<semaphore_mem>>) src(%arg7 : memref<128xf32, #tpu.memory_space<vmem>>) dst(%dma_wait3A_52 : memref<10240xf32, #tpu.memory_space<vmem_shared>>)
      }
      %scan3A_46 = arith.constant 16 : i32
    }
    %scan3A_26 = arith.constant 10 : i32
    %barrier3A_27 = arith.constant 0 : index
    tpu.barrier barrier_id(%barrier3A_27)
    %mul3A_28 = arith.constant 640 : i32
    %mul3A_29 = arith.muli %arg1, %mul3A_28 : i32
    %mul3A_30 = arith.constant 10240 : i32
    %mul3A_31 = arith.muli %arg0, %mul3A_30 : i32
    %mul3A_32 = arith.constant 640 : i32
    %mul3A_33 = arith.muli %arg1, %mul3A_32 : i32
    %add3A = arith.addi %mul3A_31, %mul3A_33 : i32
    "tpu.region"() ({
      %run_scoped3A = tpu.sem_alloc : memref<!tpu.dma_semaphore, #tpu.memory_space<semaphore_mem>>
      %dma_start3A = tpu.memref_slice %arg4[%add3A] : memref<20480xf32, #tpu.memory_space<hbm>> -> memref<640xf32, #tpu.memory_space<hbm>>
      %dma_start3A_34 = tpu.memref_slice %arg5[%mul3A_29] : memref<10240xf32, #tpu.memory_space<vmem_shared>> -> memref<640xf32, #tpu.memory_space<vmem_shared>>
      tpu.enqueue_dma source(%dma_start3A_34 : memref<640xf32, #tpu.memory_space<vmem_shared>>) target(%dma_start3A : memref<640xf32, #tpu.memory_space<hbm>>) target_semaphore(%run_scoped3A : memref<!tpu.dma_semaphore, #tpu.memory_space<semaphore_mem>>)
      %dma_wait3A = tpu.memref_slice %arg4[%add3A] : memref<20480xf32, #tpu.memory_space<hbm>> -> memref<640xf32, #tpu.memory_space<hbm>>
      %dma_wait3A_35 = tpu.memref_slice %arg5[%mul3A_29] : memref<10240xf32, #tpu.memory_space<vmem_shared>> -> memref<640xf32, #tpu.memory_space<vmem_shared>>
      tpu.wait_dma2 semaphore(%run_scoped3A : memref<!tpu.dma_semaphore, #tpu.memory_space<semaphore_mem>>) src(%dma_wait3A_35 : memref<640xf32, #tpu.memory_space<vmem_shared>>) dst(%dma_wait3A : memref<640xf32, #tpu.memory_space<hbm>>)
      tpu.yield
    }) : () -> ()
    return
  }
}

#map = affine_map<(d0, d1) -> (0, 0)>
#map1 = affine_map<(d0, d1) -> (0, 0, 0)>
module attributes {stable_mosaic.version = 14 : i64} {
  func.func @_agg_kernel(%arg0: i32, %arg1: i32, %arg2: memref<10240x128xf32, #tpu.memory_space<hbm>>, %arg3: memref<2560x128xi32, #tpu.memory_space<hbm>>, %arg4: memref<2560x128xi32, #tpu.memory_space<hbm>>, %arg5: memref<2x10240x128xf32, #tpu.memory_space<hbm>>, %arg6: memref<10240x128xf32, #tpu.memory_space<vmem_shared>>, %arg7: memref<40x128xi32, #tpu.memory_space<vmem>>, %arg8: memref<40x128xi32, #tpu.memory_space<vmem>>, %arg9: memref<128x128xf32, #tpu.memory_space<vmem>>, %arg10: memref<128x128xf32, #tpu.memory_space<vmem>>, %arg11: memref<!tpu.dma_semaphore, #tpu.memory_space<semaphore_mem>>, %arg12: memref<!tpu.dma_semaphore, #tpu.memory_space<semaphore_mem>>, %arg13: memref<!tpu.dma_semaphore, #tpu.memory_space<semaphore_mem>>, %arg14: memref<!tpu.dma_semaphore, #tpu.memory_space<semaphore_mem>>) attributes {dimension_semantics = [#tpu.dimension_semantics<core_parallel>, #tpu.dimension_semantics<subcore_parallel>], iteration_bounds = array<i64: 2, 16>, scalar_prefetch = 0 : i64, scratch_operands = 9 : i64, tpu.core_type = #tpu.core_type<sc_vector_subcore>, window_params = [{transform_indices = #map}, {transform_indices = #map}, {transform_indices = #map}, {transform_indices = #map1}]} {
    %scan3A = arith.constant 0 : i32
    %scan3A_0 = arith.constant 0 : i32
    %scan3A_1 = arith.constant 1024 : i32
    %scan3A_2 = arith.addi %scan3A_0, %scan3A_1 : i32
    %scan3A_3 = arith.constant 1 : i32
    scf.for %scan3A_163 = %scan3A_0 to %scan3A_2 step %scan3A_3  : i32 {
      %broadcast_in_dim3A = arith.constant 0.000000e+00 : f32
      %broadcast_in_dim3A_164 = vector.broadcast %broadcast_in_dim3A : f32 to vector<16xf32>
      %jit3A = arith.constant 8 : i32
      %div3A = arith.divsi %scan3A_163, %jit3A : i32
      %sign3A = arith.constant 0 : i32
      %sign3A_165 = arith.cmpi sgt, %scan3A_163, %sign3A : i32
      %sign3A_166 = arith.extui %sign3A_165 : i1 to i32
      %sign3A_167 = arith.constant 0 : i32
      %sign3A_168 = arith.cmpi slt, %scan3A_163, %sign3A_167 : i32
      %sign3A_169 = arith.extui %sign3A_168 : i1 to i32
      %sign3A_170 = arith.subi %sign3A_166, %sign3A_169 : i32
      %sign3A_171 = arith.constant 0 : i32
      %sign3A_172 = arith.cmpi sgt, %jit3A, %sign3A_171 : i32
      %sign3A_173 = arith.extui %sign3A_172 : i1 to i32
      %sign3A_174 = arith.constant 0 : i32
      %sign3A_175 = arith.cmpi slt, %jit3A, %sign3A_174 : i32
      %sign3A_176 = arith.extui %sign3A_175 : i1 to i32
      %sign3A_177 = arith.subi %sign3A_173, %sign3A_176 : i32
      %ne3A = arith.cmpi ne, %sign3A_170, %sign3A_177 : i32
      %rem3A = arith.remsi %scan3A_163, %jit3A : i32
      %ne3A_178 = arith.constant 0 : i32
      %ne3A_179 = arith.cmpi ne, %rem3A, %ne3A_178 : i32
      %and3A = arith.andi %ne3A, %ne3A_179 : i1
      %sub3A = arith.constant 1 : i32
      %sub3A_180 = arith.subi %div3A, %sub3A : i32
      %select_n3A = arith.select %and3A, %sub3A_180, %div3A : i32
      %jit3A_181 = arith.constant 8 : i32
      %eq3A = arith.constant 0 : i32
      %eq3A_182 = arith.cmpi eq, %jit3A_181, %eq3A : i32
      %jit3A_183 = arith.constant 1 : i32
      %select_n3A_184 = arith.select %eq3A_182, %jit3A_183, %jit3A_181 : i32
      %rem3A_185 = arith.remsi %scan3A_163, %select_n3A_184 : i32
      %ne3A_186 = arith.constant 0 : i32
      %ne3A_187 = arith.cmpi ne, %rem3A_185, %ne3A_186 : i32
      %lt3A = arith.constant 0 : i32
      %lt3A_188 = arith.cmpi slt, %rem3A_185, %lt3A : i32
      %lt3A_189 = arith.constant 0 : i32
      %lt3A_190 = arith.cmpi slt, %select_n3A_184, %lt3A_189 : i32
      %ne3A_191 = arith.xori %lt3A_188, %lt3A_190 : i1
      %and3A_192 = arith.andi %ne3A_191, %ne3A_187 : i1
      %add3A_193 = arith.addi %rem3A_185, %select_n3A_184 : i32
      %select_n3A_194 = arith.select %and3A_192, %add3A_193, %rem3A_185 : i32
      %mul3A_195 = arith.constant 16 : i32
      %mul3A_196 = arith.muli %select_n3A_194, %mul3A_195 : i32
      %swap3A = arith.index_cast %select_n3A : i32 to index
      %swap3A_197 = arith.index_cast %mul3A_196 : i32 to index
      %swap3A_198 = tpu.vector_load %arg9[%swap3A, %swap3A_197] {strides = array<i32>} : memref<128x128xf32, #tpu.memory_space<vmem>>, vector<1x16xf32>,
      %swap3A_199 = vector.shape_cast %swap3A_198 : vector<1x16xf32> to vector<16xf32>
      %swap3A_200 = vector.shape_cast %broadcast_in_dim3A_164 : vector<16xf32> to vector<1x16xf32>
      tpu.vector_store %arg9[%swap3A, %swap3A_197], %swap3A_200 {strides = array<i32>} : memref<128x128xf32, #tpu.memory_space<vmem>>, vector<1x16xf32>,
    }
    %scan3A_4 = arith.constant 1024 : i32
    %mul3A = arith.constant 640 : i32
    %mul3A_5 = arith.muli %arg1, %mul3A : i32
    %add3A = arith.constant 0 : i32
    %add3A_6 = arith.addi %mul3A_5, %add3A : i32
    "tpu.region"() ({
      %run_scoped3A = tpu.sem_alloc : memref<!tpu.dma_semaphore, #tpu.memory_space<semaphore_mem>>
      %dma_start3A_163 = arith.constant 0 : i32
      %dma_start3A_164 = tpu.memref_slice %arg6[%add3A_6, %dma_start3A_163] : memref<10240x128xf32, #tpu.memory_space<vmem_shared>> -> memref<128x128xf32, #tpu.memory_space<vmem_shared>>
      %dma_start3A_165 = arith.constant 0 : i32
      %dma_start3A_166 = tpu.memref_slice %arg6[%add3A_6, %dma_start3A_165] : memref<10240x128xf32, #tpu.memory_space<vmem_shared>> -> memref<128x128xf32, #tpu.memory_space<vmem_shared>>
      tpu.enqueue_dma source(%arg9 : memref<128x128xf32, #tpu.memory_space<vmem>>) target(%dma_start3A_166 : memref<128x128xf32, #tpu.memory_space<vmem_shared>>) target_semaphore(%run_scoped3A : memref<!tpu.dma_semaphore, #tpu.memory_space<semaphore_mem>>)
      %dma_wait3A_167 = arith.constant 0 : i32
      %dma_wait3A_168 = tpu.memref_slice %arg6[%add3A_6, %dma_wait3A_167] : memref<10240x128xf32, #tpu.memory_space<vmem_shared>> -> memref<128x128xf32, #tpu.memory_space<vmem_shared>>
      %dma_wait3A_169 = arith.constant 0 : i32
      %dma_wait3A_170 = tpu.memref_slice %arg6[%add3A_6, %dma_wait3A_169] : memref<10240x128xf32, #tpu.memory_space<vmem_shared>> -> memref<128x128xf32, #tpu.memory_space<vmem_shared>>
      tpu.wait_dma2 semaphore(%run_scoped3A : memref<!tpu.dma_semaphore, #tpu.memory_space<semaphore_mem>>) src(%arg9 : memref<128x128xf32, #tpu.memory_space<vmem>>) dst(%dma_wait3A_170 : memref<128x128xf32, #tpu.memory_space<vmem_shared>>)
      tpu.yield
    }) : () -> ()
    %mul3A_7 = arith.constant 640 : i32
    %mul3A_8 = arith.muli %arg1, %mul3A_7 : i32
    %add3A_9 = arith.constant 128 : i32
    %add3A_10 = arith.addi %mul3A_8, %add3A_9 : i32
    "tpu.region"() ({
      %run_scoped3A = tpu.sem_alloc : memref<!tpu.dma_semaphore, #tpu.memory_space<semaphore_mem>>
      %dma_start3A_163 = arith.constant 0 : i32
      %dma_start3A_164 = tpu.memref_slice %arg6[%add3A_10, %dma_start3A_163] : memref<10240x128xf32, #tpu.memory_space<vmem_shared>> -> memref<128x128xf32, #tpu.memory_space<vmem_shared>>
      %dma_start3A_165 = arith.constant 0 : i32
      %dma_start3A_166 = tpu.memref_slice %arg6[%add3A_10, %dma_start3A_165] : memref<10240x128xf32, #tpu.memory_space<vmem_shared>> -> memref<128x128xf32, #tpu.memory_space<vmem_shared>>
      tpu.enqueue_dma source(%arg9 : memref<128x128xf32, #tpu.memory_space<vmem>>) target(%dma_start3A_166 : memref<128x128xf32, #tpu.memory_space<vmem_shared>>) target_semaphore(%run_scoped3A : memref<!tpu.dma_semaphore, #tpu.memory_space<semaphore_mem>>)
      %dma_wait3A_167 = arith.constant 0 : i32
      %dma_wait3A_168 = tpu.memref_slice %arg6[%add3A_10, %dma_wait3A_167] : memref<10240x128xf32, #tpu.memory_space<vmem_shared>> -> memref<128x128xf32, #tpu.memory_space<vmem_shared>>
      %dma_wait3A_169 = arith.constant 0 : i32
      %dma_wait3A_170 = tpu.memref_slice %arg6[%add3A_10, %dma_wait3A_169] : memref<10240x128xf32, #tpu.memory_space<vmem_shared>> -> memref<128x128xf32, #tpu.memory_space<vmem_shared>>
      tpu.wait_dma2 semaphore(%run_scoped3A : memref<!tpu.dma_semaphore, #tpu.memory_space<semaphore_mem>>) src(%arg9 : memref<128x128xf32, #tpu.memory_space<vmem>>) dst(%dma_wait3A_170 : memref<128x128xf32, #tpu.memory_space<vmem_shared>>)
      tpu.yield
    }) : () -> ()
    %mul3A_11 = arith.constant 640 : i32
    %mul3A_12 = arith.muli %arg1, %mul3A_11 : i32
    %add3A_13 = arith.constant 256 : i32
    %add3A_14 = arith.addi %mul3A_12, %add3A_13 : i32
    "tpu.region"() ({
      %run_scoped3A = tpu.sem_alloc : memref<!tpu.dma_semaphore, #tpu.memory_space<semaphore_mem>>
      %dma_start3A_163 = arith.constant 0 : i32
      %dma_start3A_164 = tpu.memref_slice %arg6[%add3A_14, %dma_start3A_163] : memref<10240x128xf32, #tpu.memory_space<vmem_shared>> -> memref<128x128xf32, #tpu.memory_space<vmem_shared>>
      %dma_start3A_165 = arith.constant 0 : i32
      %dma_start3A_166 = tpu.memref_slice %arg6[%add3A_14, %dma_start3A_165] : memref<10240x128xf32, #tpu.memory_space<vmem_shared>> -> memref<128x128xf32, #tpu.memory_space<vmem_shared>>
      tpu.enqueue_dma source(%arg9 : memref<128x128xf32, #tpu.memory_space<vmem>>) target(%dma_start3A_166 : memref<128x128xf32, #tpu.memory_space<vmem_shared>>) target_semaphore(%run_scoped3A : memref<!tpu.dma_semaphore, #tpu.memory_space<semaphore_mem>>)
      %dma_wait3A_167 = arith.constant 0 : i32
      %dma_wait3A_168 = tpu.memref_slice %arg6[%add3A_14, %dma_wait3A_167] : memref<10240x128xf32, #tpu.memory_space<vmem_shared>> -> memref<128x128xf32, #tpu.memory_space<vmem_shared>>
      %dma_wait3A_169 = arith.constant 0 : i32
      %dma_wait3A_170 = tpu.memref_slice %arg6[%add3A_14, %dma_wait3A_169] : memref<10240x128xf32, #tpu.memory_space<vmem_shared>> -> memref<128x128xf32, #tpu.memory_space<vmem_shared>>
      tpu.wait_dma2 semaphore(%run_scoped3A : memref<!tpu.dma_semaphore, #tpu.memory_space<semaphore_mem>>) src(%arg9 : memref<128x128xf32, #tpu.memory_space<vmem>>) dst(%dma_wait3A_170 : memref<128x128xf32, #tpu.memory_space<vmem_shared>>)
      tpu.yield
    }) : () -> ()
    %mul3A_15 = arith.constant 640 : i32
    %mul3A_16 = arith.muli %arg1, %mul3A_15 : i32
    %add3A_17 = arith.constant 384 : i32
    %add3A_18 = arith.addi %mul3A_16, %add3A_17 : i32
    "tpu.region"() ({
      %run_scoped3A = tpu.sem_alloc : memref<!tpu.dma_semaphore, #tpu.memory_space<semaphore_mem>>
      %dma_start3A_163 = arith.constant 0 : i32
      %dma_start3A_164 = tpu.memref_slice %arg6[%add3A_18, %dma_start3A_163] : memref<10240x128xf32, #tpu.memory_space<vmem_shared>> -> memref<128x128xf32, #tpu.memory_space<vmem_shared>>
      %dma_start3A_165 = arith.constant 0 : i32
      %dma_start3A_166 = tpu.memref_slice %arg6[%add3A_18, %dma_start3A_165] : memref<10240x128xf32, #tpu.memory_space<vmem_shared>> -> memref<128x128xf32, #tpu.memory_space<vmem_shared>>
      tpu.enqueue_dma source(%arg9 : memref<128x128xf32, #tpu.memory_space<vmem>>) target(%dma_start3A_166 : memref<128x128xf32, #tpu.memory_space<vmem_shared>>) target_semaphore(%run_scoped3A : memref<!tpu.dma_semaphore, #tpu.memory_space<semaphore_mem>>)
      %dma_wait3A_167 = arith.constant 0 : i32
      %dma_wait3A_168 = tpu.memref_slice %arg6[%add3A_18, %dma_wait3A_167] : memref<10240x128xf32, #tpu.memory_space<vmem_shared>> -> memref<128x128xf32, #tpu.memory_space<vmem_shared>>
      %dma_wait3A_169 = arith.constant 0 : i32
      %dma_wait3A_170 = tpu.memref_slice %arg6[%add3A_18, %dma_wait3A_169] : memref<10240x128xf32, #tpu.memory_space<vmem_shared>> -> memref<128x128xf32, #tpu.memory_space<vmem_shared>>
      tpu.wait_dma2 semaphore(%run_scoped3A : memref<!tpu.dma_semaphore, #tpu.memory_space<semaphore_mem>>) src(%arg9 : memref<128x128xf32, #tpu.memory_space<vmem>>) dst(%dma_wait3A_170 : memref<128x128xf32, #tpu.memory_space<vmem_shared>>)
      tpu.yield
    }) : () -> ()
    %mul3A_19 = arith.constant 640 : i32
    %mul3A_20 = arith.muli %arg1, %mul3A_19 : i32
    %add3A_21 = arith.constant 512 : i32
    %add3A_22 = arith.addi %mul3A_20, %add3A_21 : i32
    "tpu.region"() ({
      %run_scoped3A = tpu.sem_alloc : memref<!tpu.dma_semaphore, #tpu.memory_space<semaphore_mem>>
      %dma_start3A_163 = arith.constant 0 : i32
      %dma_start3A_164 = tpu.memref_slice %arg6[%add3A_22, %dma_start3A_163] : memref<10240x128xf32, #tpu.memory_space<vmem_shared>> -> memref<128x128xf32, #tpu.memory_space<vmem_shared>>
      %dma_start3A_165 = arith.constant 0 : i32
      %dma_start3A_166 = tpu.memref_slice %arg6[%add3A_22, %dma_start3A_165] : memref<10240x128xf32, #tpu.memory_space<vmem_shared>> -> memref<128x128xf32, #tpu.memory_space<vmem_shared>>
      tpu.enqueue_dma source(%arg9 : memref<128x128xf32, #tpu.memory_space<vmem>>) target(%dma_start3A_166 : memref<128x128xf32, #tpu.memory_space<vmem_shared>>) target_semaphore(%run_scoped3A : memref<!tpu.dma_semaphore, #tpu.memory_space<semaphore_mem>>)
      %dma_wait3A_167 = arith.constant 0 : i32
      %dma_wait3A_168 = tpu.memref_slice %arg6[%add3A_22, %dma_wait3A_167] : memref<10240x128xf32, #tpu.memory_space<vmem_shared>> -> memref<128x128xf32, #tpu.memory_space<vmem_shared>>
      %dma_wait3A_169 = arith.constant 0 : i32
      %dma_wait3A_170 = tpu.memref_slice %arg6[%add3A_22, %dma_wait3A_169] : memref<10240x128xf32, #tpu.memory_space<vmem_shared>> -> memref<128x128xf32, #tpu.memory_space<vmem_shared>>
      tpu.wait_dma2 semaphore(%run_scoped3A : memref<!tpu.dma_semaphore, #tpu.memory_space<semaphore_mem>>) src(%arg9 : memref<128x128xf32, #tpu.memory_space<vmem>>) dst(%dma_wait3A_170 : memref<128x128xf32, #tpu.memory_space<vmem_shared>>)
      tpu.yield
    }) : () -> ()
    %barrier3A = arith.constant 0 : index
    tpu.barrier barrier_id(%barrier3A)
    %mul3A_23 = arith.constant 16 : i32
    %mul3A_24 = arith.muli %arg0, %mul3A_23 : i32
    %add3A_25 = arith.addi %mul3A_24, %arg1 : i32
    %mul3A_26 = arith.constant 80 : i32
    %mul3A_27 = arith.muli %add3A_25, %mul3A_26 : i32
    %add3A_28 = arith.constant 0 : i32
    %add3A_29 = arith.addi %mul3A_27, %add3A_28 : i32
    "tpu.region"() ({
      %run_scoped3A = tpu.sem_alloc : memref<!tpu.dma_semaphore, #tpu.memory_space<semaphore_mem>>
      %dma_start3A_163 = arith.constant 0 : i32
      %dma_start3A_164 = arith.constant 0 : i32
      %dma_start3A_165 = tpu.memref_slice %arg7[%dma_start3A_163, %dma_start3A_164] : memref<40x128xi32, #tpu.memory_space<vmem>> -> memref<40x128xi32, #tpu.memory_space<vmem>>
      %dma_start3A_166 = arith.constant 0 : i32
      %dma_start3A_167 = tpu.memref_slice %arg3[%add3A_29, %dma_start3A_166] : memref<2560x128xi32, #tpu.memory_space<hbm>> -> memref<40x128xi32, #tpu.memory_space<hbm>>
      %dma_start3A_168 = arith.constant 0 : i32
      %dma_start3A_169 = arith.constant 0 : i32
      %dma_start3A_170 = tpu.memref_slice %arg7[%dma_start3A_168, %dma_start3A_169] : memref<40x128xi32, #tpu.memory_space<vmem>> -> memref<40x128xi32, #tpu.memory_space<vmem>>
      %dma_start3A_171 = arith.constant 0 : i32
      %dma_start3A_172 = tpu.memref_slice %arg3[%add3A_29, %dma_start3A_171] : memref<2560x128xi32, #tpu.memory_space<hbm>> -> memref<40x128xi32, #tpu.memory_space<hbm>>
      tpu.enqueue_dma source(%dma_start3A_172 : memref<40x128xi32, #tpu.memory_space<hbm>>) target(%dma_start3A_170 : memref<40x128xi32, #tpu.memory_space<vmem>>) target_semaphore(%run_scoped3A : memref<!tpu.dma_semaphore, #tpu.memory_space<semaphore_mem>>)
      %dma_wait3A_173 = arith.constant 0 : i32
      %dma_wait3A_174 = arith.constant 0 : i32
      %dma_wait3A_175 = tpu.memref_slice %arg7[%dma_wait3A_173, %dma_wait3A_174] : memref<40x128xi32, #tpu.memory_space<vmem>> -> memref<40x128xi32, #tpu.memory_space<vmem>>
      %dma_wait3A_176 = arith.constant 0 : i32
      %dma_wait3A_177 = tpu.memref_slice %arg3[%add3A_29, %dma_wait3A_176] : memref<2560x128xi32, #tpu.memory_space<hbm>> -> memref<40x128xi32, #tpu.memory_space<hbm>>
      %dma_wait3A_178 = arith.constant 0 : i32
      %dma_wait3A_179 = arith.constant 0 : i32
      %dma_wait3A_180 = tpu.memref_slice %arg7[%dma_wait3A_178, %dma_wait3A_179] : memref<40x128xi32, #tpu.memory_space<vmem>> -> memref<40x128xi32, #tpu.memory_space<vmem>>
      %dma_wait3A_181 = arith.constant 0 : i32
      %dma_wait3A_182 = tpu.memref_slice %arg3[%add3A_29, %dma_wait3A_181] : memref<2560x128xi32, #tpu.memory_space<hbm>> -> memref<40x128xi32, #tpu.memory_space<hbm>>
      tpu.wait_dma2 semaphore(%run_scoped3A : memref<!tpu.dma_semaphore, #tpu.memory_space<semaphore_mem>>) src(%dma_wait3A_182 : memref<40x128xi32, #tpu.memory_space<hbm>>) dst(%dma_wait3A_180 : memref<40x128xi32, #tpu.memory_space<vmem>>)
      tpu.yield
    }) : () -> ()
    %add3A_30 = arith.constant 0 : i32
    %add3A_31 = arith.addi %mul3A_27, %add3A_30 : i32
    "tpu.region"() ({
      %run_scoped3A = tpu.sem_alloc : memref<!tpu.dma_semaphore, #tpu.memory_space<semaphore_mem>>
      %dma_start3A_163 = arith.constant 0 : i32
      %dma_start3A_164 = arith.constant 0 : i32
      %dma_start3A_165 = tpu.memref_slice %arg8[%dma_start3A_163, %dma_start3A_164] : memref<40x128xi32, #tpu.memory_space<vmem>> -> memref<40x128xi32, #tpu.memory_space<vmem>>
      %dma_start3A_166 = arith.constant 0 : i32
      %dma_start3A_167 = tpu.memref_slice %arg4[%add3A_31, %dma_start3A_166] : memref<2560x128xi32, #tpu.memory_space<hbm>> -> memref<40x128xi32, #tpu.memory_space<hbm>>
      %dma_start3A_168 = arith.constant 0 : i32
      %dma_start3A_169 = arith.constant 0 : i32
      %dma_start3A_170 = tpu.memref_slice %arg8[%dma_start3A_168, %dma_start3A_169] : memref<40x128xi32, #tpu.memory_space<vmem>> -> memref<40x128xi32, #tpu.memory_space<vmem>>
      %dma_start3A_171 = arith.constant 0 : i32
      %dma_start3A_172 = tpu.memref_slice %arg4[%add3A_31, %dma_start3A_171] : memref<2560x128xi32, #tpu.memory_space<hbm>> -> memref<40x128xi32, #tpu.memory_space<hbm>>
      tpu.enqueue_dma source(%dma_start3A_172 : memref<40x128xi32, #tpu.memory_space<hbm>>) target(%dma_start3A_170 : memref<40x128xi32, #tpu.memory_space<vmem>>) target_semaphore(%run_scoped3A : memref<!tpu.dma_semaphore, #tpu.memory_space<semaphore_mem>>)
      %dma_wait3A_173 = arith.constant 0 : i32
      %dma_wait3A_174 = arith.constant 0 : i32
      %dma_wait3A_175 = tpu.memref_slice %arg8[%dma_wait3A_173, %dma_wait3A_174] : memref<40x128xi32, #tpu.memory_space<vmem>> -> memref<40x128xi32, #tpu.memory_space<vmem>>
      %dma_wait3A_176 = arith.constant 0 : i32
      %dma_wait3A_177 = tpu.memref_slice %arg4[%add3A_31, %dma_wait3A_176] : memref<2560x128xi32, #tpu.memory_space<hbm>> -> memref<40x128xi32, #tpu.memory_space<hbm>>
      %dma_wait3A_178 = arith.constant 0 : i32
      %dma_wait3A_179 = arith.constant 0 : i32
      %dma_wait3A_180 = tpu.memref_slice %arg8[%dma_wait3A_178, %dma_wait3A_179] : memref<40x128xi32, #tpu.memory_space<vmem>> -> memref<40x128xi32, #tpu.memory_space<vmem>>
      %dma_wait3A_181 = arith.constant 0 : i32
      %dma_wait3A_182 = tpu.memref_slice %arg4[%add3A_31, %dma_wait3A_181] : memref<2560x128xi32, #tpu.memory_space<hbm>> -> memref<40x128xi32, #tpu.memory_space<hbm>>
      tpu.wait_dma2 semaphore(%run_scoped3A : memref<!tpu.dma_semaphore, #tpu.memory_space<semaphore_mem>>) src(%dma_wait3A_182 : memref<40x128xi32, #tpu.memory_space<hbm>>) dst(%dma_wait3A_180 : memref<40x128xi32, #tpu.memory_space<vmem>>)
      tpu.yield
    }) : () -> ()
    %dma_start3A = arith.constant 0 : i32
    %dma_start3A_32 = arith.constant 0 : i32
    %dma_start3A_33 = tpu.memref_slice %arg7[%dma_start3A, %dma_start3A_32] : memref<40x128xi32, #tpu.memory_space<vmem>> -> memref<1x128xi32, #tpu.memory_space<vmem>>
    %dma_start3A_34 = tpu.memref_squeeze %dma_start3A_33 : memref<1x128xi32, #tpu.memory_space<vmem>> -> memref<128xi32, #tpu.memory_space<vmem>>
    %dma_start3A_35 = arith.constant 0 : i32
    %dma_start3A_36 = arith.constant 0 : i32
    %dma_start3A_37 = tpu.memref_slice %arg2[%dma_start3A_35, %dma_start3A_36] : memref<10240x128xf32, #tpu.memory_space<hbm>> -> memref<10240x128xf32, #tpu.memory_space<hbm>>
    tpu.enqueue_indirect_dma source(%dma_start3A_37 : memref<10240x128xf32, #tpu.memory_space<hbm>>) target(%arg9 : memref<128x128xf32, #tpu.memory_space<vmem>>) offsets(%dma_start3A_34 : memref<128xi32, #tpu.memory_space<vmem>>) semaphore(%arg11 : memref<!tpu.dma_semaphore, #tpu.memory_space<semaphore_mem>>)
    %dma_start3A_38 = arith.constant 1 : i32
    %dma_start3A_39 = arith.constant 0 : i32
    %dma_start3A_40 = tpu.memref_slice %arg7[%dma_start3A_38, %dma_start3A_39] : memref<40x128xi32, #tpu.memory_space<vmem>> -> memref<1x128xi32, #tpu.memory_space<vmem>>
    %dma_start3A_41 = tpu.memref_squeeze %dma_start3A_40 : memref<1x128xi32, #tpu.memory_space<vmem>> -> memref<128xi32, #tpu.memory_space<vmem>>
    %dma_start3A_42 = arith.constant 0 : i32
    %dma_start3A_43 = arith.constant 0 : i32
    %dma_start3A_44 = tpu.memref_slice %arg2[%dma_start3A_42, %dma_start3A_43] : memref<10240x128xf32, #tpu.memory_space<hbm>> -> memref<10240x128xf32, #tpu.memory_space<hbm>>
    tpu.enqueue_indirect_dma source(%dma_start3A_44 : memref<10240x128xf32, #tpu.memory_space<hbm>>) target(%arg10 : memref<128x128xf32, #tpu.memory_space<vmem>>) offsets(%dma_start3A_41 : memref<128xi32, #tpu.memory_space<vmem>>) semaphore(%arg12 : memref<!tpu.dma_semaphore, #tpu.memory_space<semaphore_mem>>)
    %scan3A_45 = arith.constant 0 : i32
    %scan3A_46 = arith.constant 0 : i32
    %scan3A_47 = arith.constant 19 : i32
    %scan3A_48 = arith.addi %scan3A_46, %scan3A_47 : i32
    %scan3A_49 = arith.constant 1 : i32
    scf.for %scan3A_163 = %scan3A_46 to %scan3A_48 step %scan3A_49  : i32 {
      %mul3A_164 = arith.constant 2 : i32
      %mul3A_165 = arith.muli %scan3A_163, %mul3A_164 : i32
      %add3A_166 = arith.constant 0 : i32
      %add3A_167 = arith.addi %mul3A_165, %add3A_166 : i32
      %dma_wait3A_168 = arith.constant 0 : i32
      %dma_wait3A_169 = tpu.memref_slice %arg7[%add3A_167, %dma_wait3A_168] : memref<40x128xi32, #tpu.memory_space<vmem>> -> memref<1x128xi32, #tpu.memory_space<vmem>>
      %dma_wait3A_170 = tpu.memref_squeeze %dma_wait3A_169 : memref<1x128xi32, #tpu.memory_space<vmem>> -> memref<128xi32, #tpu.memory_space<vmem>>
      %dma_wait3A_171 = arith.constant 0 : i32
      %dma_wait3A_172 = arith.constant 0 : i32
      %dma_wait3A_173 = tpu.memref_slice %arg2[%dma_wait3A_171, %dma_wait3A_172] : memref<10240x128xf32, #tpu.memory_space<hbm>> -> memref<10240x128xf32, #tpu.memory_space<hbm>>
      tpu.wait_indirect_dma semaphore(%arg11 : memref<!tpu.dma_semaphore, #tpu.memory_space<semaphore_mem>>) src(%dma_wait3A_173 : memref<10240x128xf32, #tpu.memory_space<hbm>>) dst(%arg9 : memref<128x128xf32, #tpu.memory_space<vmem>>)
      %dma_start3A_174 = arith.constant 0 : i32
      %dma_start3A_175 = tpu.memref_slice %arg8[%add3A_167, %dma_start3A_174] : memref<40x128xi32, #tpu.memory_space<vmem>> -> memref<1x128xi32, #tpu.memory_space<vmem>>
      %dma_start3A_176 = tpu.memref_squeeze %dma_start3A_175 : memref<1x128xi32, #tpu.memory_space<vmem>> -> memref<128xi32, #tpu.memory_space<vmem>>
      %dma_start3A_177 = arith.constant 0 : i32
      %dma_start3A_178 = arith.constant 0 : i32
      %dma_start3A_179 = tpu.memref_slice %arg6[%dma_start3A_177, %dma_start3A_178] : memref<10240x128xf32, #tpu.memory_space<vmem_shared>> -> memref<10240x128xf32, #tpu.memory_space<vmem_shared>>
      tpu.enqueue_indirect_dma source(%arg9 : memref<128x128xf32, #tpu.memory_space<vmem>>) target(%dma_start3A_179 : memref<10240x128xf32, #tpu.memory_space<vmem_shared>>) offsets(%dma_start3A_176 : memref<128xi32, #tpu.memory_space<vmem>>) semaphore(%arg13 : memref<!tpu.dma_semaphore, #tpu.memory_space<semaphore_mem>>) {add = true}
      %mul3A_180 = arith.constant 2 : i32
      %mul3A_181 = arith.muli %scan3A_163, %mul3A_180 : i32
      %add3A_182 = arith.constant 1 : i32
      %add3A_183 = arith.addi %mul3A_181, %add3A_182 : i32
      %dma_wait3A_184 = arith.constant 0 : i32
      %dma_wait3A_185 = tpu.memref_slice %arg7[%add3A_183, %dma_wait3A_184] : memref<40x128xi32, #tpu.memory_space<vmem>> -> memref<1x128xi32, #tpu.memory_space<vmem>>
      %dma_wait3A_186 = tpu.memref_squeeze %dma_wait3A_185 : memref<1x128xi32, #tpu.memory_space<vmem>> -> memref<128xi32, #tpu.memory_space<vmem>>
      %dma_wait3A_187 = arith.constant 0 : i32
      %dma_wait3A_188 = arith.constant 0 : i32
      %dma_wait3A_189 = tpu.memref_slice %arg2[%dma_wait3A_187, %dma_wait3A_188] : memref<10240x128xf32, #tpu.memory_space<hbm>> -> memref<10240x128xf32, #tpu.memory_space<hbm>>
      tpu.wait_indirect_dma semaphore(%arg12 : memref<!tpu.dma_semaphore, #tpu.memory_space<semaphore_mem>>) src(%dma_wait3A_189 : memref<10240x128xf32, #tpu.memory_space<hbm>>) dst(%arg10 : memref<128x128xf32, #tpu.memory_space<vmem>>)
      %dma_start3A_190 = arith.constant 0 : i32
      %dma_start3A_191 = tpu.memref_slice %arg8[%add3A_183, %dma_start3A_190] : memref<40x128xi32, #tpu.memory_space<vmem>> -> memref<1x128xi32, #tpu.memory_space<vmem>>
      %dma_start3A_192 = tpu.memref_squeeze %dma_start3A_191 : memref<1x128xi32, #tpu.memory_space<vmem>> -> memref<128xi32, #tpu.memory_space<vmem>>
      %dma_start3A_193 = arith.constant 0 : i32
      %dma_start3A_194 = arith.constant 0 : i32
      %dma_start3A_195 = tpu.memref_slice %arg6[%dma_start3A_193, %dma_start3A_194] : memref<10240x128xf32, #tpu.memory_space<vmem_shared>> -> memref<10240x128xf32, #tpu.memory_space<vmem_shared>>
      tpu.enqueue_indirect_dma source(%arg10 : memref<128x128xf32, #tpu.memory_space<vmem>>) target(%dma_start3A_195 : memref<10240x128xf32, #tpu.memory_space<vmem_shared>>) offsets(%dma_start3A_192 : memref<128xi32, #tpu.memory_space<vmem>>) semaphore(%arg14 : memref<!tpu.dma_semaphore, #tpu.memory_space<semaphore_mem>>) {add = true}
      %mul3A_196 = arith.constant 2 : i32
      %mul3A_197 = arith.muli %scan3A_163, %mul3A_196 : i32
      %add3A_198 = arith.constant 0 : i32
      %add3A_199 = arith.addi %mul3A_197, %add3A_198 : i32
      %dma_wait3A_200 = arith.constant 0 : i32
      %dma_wait3A_201 = tpu.memref_slice %arg8[%add3A_199, %dma_wait3A_200] : memref<40x128xi32, #tpu.memory_space<vmem>> -> memref<1x128xi32, #tpu.memory_space<vmem>>
      %dma_wait3A_202 = tpu.memref_squeeze %dma_wait3A_201 : memref<1x128xi32, #tpu.memory_space<vmem>> -> memref<128xi32, #tpu.memory_space<vmem>>
      %dma_wait3A_203 = arith.constant 0 : i32
      %dma_wait3A_204 = arith.constant 0 : i32
      %dma_wait3A_205 = tpu.memref_slice %arg6[%dma_wait3A_203, %dma_wait3A_204] : memref<10240x128xf32, #tpu.memory_space<vmem_shared>> -> memref<10240x128xf32, #tpu.memory_space<vmem_shared>>
      tpu.wait_indirect_dma semaphore(%arg13 : memref<!tpu.dma_semaphore, #tpu.memory_space<semaphore_mem>>) src(%arg9 : memref<128x128xf32, #tpu.memory_space<vmem>>) dst(%dma_wait3A_205 : memref<10240x128xf32, #tpu.memory_space<vmem_shared>>)
      %add3A_206 = arith.constant 2 : i32
      %add3A_207 = arith.addi %add3A_199, %add3A_206 : i32
      %dma_start3A_208 = arith.constant 0 : i32
      %dma_start3A_209 = tpu.memref_slice %arg7[%add3A_207, %dma_start3A_208] : memref<40x128xi32, #tpu.memory_space<vmem>> -> memref<1x128xi32, #tpu.memory_space<vmem>>
      %dma_start3A_210 = tpu.memref_squeeze %dma_start3A_209 : memref<1x128xi32, #tpu.memory_space<vmem>> -> memref<128xi32, #tpu.memory_space<vmem>>
      %dma_start3A_211 = arith.constant 0 : i32
      %dma_start3A_212 = arith.constant 0 : i32
      %dma_start3A_213 = tpu.memref_slice %arg2[%dma_start3A_211, %dma_start3A_212] : memref<10240x128xf32, #tpu.memory_space<hbm>> -> memref<10240x128xf32, #tpu.memory_space<hbm>>
      tpu.enqueue_indirect_dma source(%dma_start3A_213 : memref<10240x128xf32, #tpu.memory_space<hbm>>) target(%arg9 : memref<128x128xf32, #tpu.memory_space<vmem>>) offsets(%dma_start3A_210 : memref<128xi32, #tpu.memory_space<vmem>>) semaphore(%arg11 : memref<!tpu.dma_semaphore, #tpu.memory_space<semaphore_mem>>)
      %mul3A_214 = arith.constant 2 : i32
      %mul3A_215 = arith.muli %scan3A_163, %mul3A_214 : i32
      %add3A_216 = arith.constant 1 : i32
      %add3A_217 = arith.addi %mul3A_215, %add3A_216 : i32
      %dma_wait3A_218 = arith.constant 0 : i32
      %dma_wait3A_219 = tpu.memref_slice %arg8[%add3A_217, %dma_wait3A_218] : memref<40x128xi32, #tpu.memory_space<vmem>> -> memref<1x128xi32, #tpu.memory_space<vmem>>
      %dma_wait3A_220 = tpu.memref_squeeze %dma_wait3A_219 : memref<1x128xi32, #tpu.memory_space<vmem>> -> memref<128xi32, #tpu.memory_space<vmem>>
      %dma_wait3A_221 = arith.constant 0 : i32
      %dma_wait3A_222 = arith.constant 0 : i32
      %dma_wait3A_223 = tpu.memref_slice %arg6[%dma_wait3A_221, %dma_wait3A_222] : memref<10240x128xf32, #tpu.memory_space<vmem_shared>> -> memref<10240x128xf32, #tpu.memory_space<vmem_shared>>
      tpu.wait_indirect_dma semaphore(%arg14 : memref<!tpu.dma_semaphore, #tpu.memory_space<semaphore_mem>>) src(%arg10 : memref<128x128xf32, #tpu.memory_space<vmem>>) dst(%dma_wait3A_223 : memref<10240x128xf32, #tpu.memory_space<vmem_shared>>)
      %add3A_224 = arith.constant 2 : i32
      %add3A_225 = arith.addi %add3A_217, %add3A_224 : i32
      %dma_start3A_226 = arith.constant 0 : i32
      %dma_start3A_227 = tpu.memref_slice %arg7[%add3A_225, %dma_start3A_226] : memref<40x128xi32, #tpu.memory_space<vmem>> -> memref<1x128xi32, #tpu.memory_space<vmem>>
      %dma_start3A_228 = tpu.memref_squeeze %dma_start3A_227 : memref<1x128xi32, #tpu.memory_space<vmem>> -> memref<128xi32, #tpu.memory_space<vmem>>
      %dma_start3A_229 = arith.constant 0 : i32
      %dma_start3A_230 = arith.constant 0 : i32
      %dma_start3A_231 = tpu.memref_slice %arg2[%dma_start3A_229, %dma_start3A_230] : memref<10240x128xf32, #tpu.memory_space<hbm>> -> memref<10240x128xf32, #tpu.memory_space<hbm>>
      tpu.enqueue_indirect_dma source(%dma_start3A_231 : memref<10240x128xf32, #tpu.memory_space<hbm>>) target(%arg10 : memref<128x128xf32, #tpu.memory_space<vmem>>) offsets(%dma_start3A_228 : memref<128xi32, #tpu.memory_space<vmem>>) semaphore(%arg12 : memref<!tpu.dma_semaphore, #tpu.memory_space<semaphore_mem>>)
    }
    %scan3A_50 = arith.constant 19 : i32
    %dma_wait3A = arith.constant 38 : i32
    %dma_wait3A_51 = arith.constant 0 : i32
    %dma_wait3A_52 = tpu.memref_slice %arg7[%dma_wait3A, %dma_wait3A_51] : memref<40x128xi32, #tpu.memory_space<vmem>> -> memref<1x128xi32, #tpu.memory_space<vmem>>
    %dma_wait3A_53 = tpu.memref_squeeze %dma_wait3A_52 : memref<1x128xi32, #tpu.memory_space<vmem>> -> memref<128xi32, #tpu.memory_space<vmem>>
    %dma_wait3A_54 = arith.constant 0 : i32
    %dma_wait3A_55 = arith.constant 0 : i32
    %dma_wait3A_56 = tpu.memref_slice %arg2[%dma_wait3A_54, %dma_wait3A_55] : memref<10240x128xf32, #tpu.memory_space<hbm>> -> memref<10240x128xf32, #tpu.memory_space<hbm>>
    tpu.wait_indirect_dma semaphore(%arg11 : memref<!tpu.dma_semaphore, #tpu.memory_space<semaphore_mem>>) src(%dma_wait3A_56 : memref<10240x128xf32, #tpu.memory_space<hbm>>) dst(%arg9 : memref<128x128xf32, #tpu.memory_space<vmem>>)
    %dma_start3A_57 = arith.constant 38 : i32
    %dma_start3A_58 = arith.constant 0 : i32
    %dma_start3A_59 = tpu.memref_slice %arg8[%dma_start3A_57, %dma_start3A_58] : memref<40x128xi32, #tpu.memory_space<vmem>> -> memref<1x128xi32, #tpu.memory_space<vmem>>
    %dma_start3A_60 = tpu.memref_squeeze %dma_start3A_59 : memref<1x128xi32, #tpu.memory_space<vmem>> -> memref<128xi32, #tpu.memory_space<vmem>>
    %dma_start3A_61 = arith.constant 0 : i32
    %dma_start3A_62 = arith.constant 0 : i32
    %dma_start3A_63 = tpu.memref_slice %arg6[%dma_start3A_61, %dma_start3A_62] : memref<10240x128xf32, #tpu.memory_space<vmem_shared>> -> memref<10240x128xf32, #tpu.memory_space<vmem_shared>>
    tpu.enqueue_indirect_dma source(%arg9 : memref<128x128xf32, #tpu.memory_space<vmem>>) target(%dma_start3A_63 : memref<10240x128xf32, #tpu.memory_space<vmem_shared>>) offsets(%dma_start3A_60 : memref<128xi32, #tpu.memory_space<vmem>>) semaphore(%arg13 : memref<!tpu.dma_semaphore, #tpu.memory_space<semaphore_mem>>) {add = true}
    %dma_wait3A_64 = arith.constant 39 : i32
    %dma_wait3A_65 = arith.constant 0 : i32
    %dma_wait3A_66 = tpu.memref_slice %arg7[%dma_wait3A_64, %dma_wait3A_65] : memref<40x128xi32, #tpu.memory_space<vmem>> -> memref<1x128xi32, #tpu.memory_space<vmem>>
    %dma_wait3A_67 = tpu.memref_squeeze %dma_wait3A_66 : memref<1x128xi32, #tpu.memory_space<vmem>> -> memref<128xi32, #tpu.memory_space<vmem>>
    %dma_wait3A_68 = arith.constant 0 : i32
    %dma_wait3A_69 = arith.constant 0 : i32
    %dma_wait3A_70 = tpu.memref_slice %arg2[%dma_wait3A_68, %dma_wait3A_69] : memref<10240x128xf32, #tpu.memory_space<hbm>> -> memref<10240x128xf32, #tpu.memory_space<hbm>>
    tpu.wait_indirect_dma semaphore(%arg12 : memref<!tpu.dma_semaphore, #tpu.memory_space<semaphore_mem>>) src(%dma_wait3A_70 : memref<10240x128xf32, #tpu.memory_space<hbm>>) dst(%arg10 : memref<128x128xf32, #tpu.memory_space<vmem>>)
    %dma_start3A_71 = arith.constant 39 : i32
    %dma_start3A_72 = arith.constant 0 : i32
    %dma_start3A_73 = tpu.memref_slice %arg8[%dma_start3A_71, %dma_start3A_72] : memref<40x128xi32, #tpu.memory_space<vmem>> -> memref<1x128xi32, #tpu.memory_space<vmem>>
    %dma_start3A_74 = tpu.memref_squeeze %dma_start3A_73 : memref<1x128xi32, #tpu.memory_space<vmem>> -> memref<128xi32, #tpu.memory_space<vmem>>
    %dma_start3A_75 = arith.constant 0 : i32
    %dma_start3A_76 = arith.constant 0 : i32
    %dma_start3A_77 = tpu.memref_slice %arg6[%dma_start3A_75, %dma_start3A_76] : memref<10240x128xf32, #tpu.memory_space<vmem_shared>> -> memref<10240x128xf32, #tpu.memory_space<vmem_shared>>
    tpu.enqueue_indirect_dma source(%arg10 : memref<128x128xf32, #tpu.memory_space<vmem>>) target(%dma_start3A_77 : memref<10240x128xf32, #tpu.memory_space<vmem_shared>>) offsets(%dma_start3A_74 : memref<128xi32, #tpu.memory_space<vmem>>) semaphore(%arg14 : memref<!tpu.dma_semaphore, #tpu.memory_space<semaphore_mem>>) {add = true}
    %dma_wait3A_78 = arith.constant 38 : i32
    %dma_wait3A_79 = arith.constant 0 : i32
    %dma_wait3A_80 = tpu.memref_slice %arg8[%dma_wait3A_78, %dma_wait3A_79] : memref<40x128xi32, #tpu.memory_space<vmem>> -> memref<1x128xi32, #tpu.memory_space<vmem>>
    %dma_wait3A_81 = tpu.memref_squeeze %dma_wait3A_80 : memref<1x128xi32, #tpu.memory_space<vmem>> -> memref<128xi32, #tpu.memory_space<vmem>>
    %dma_wait3A_82 = arith.constant 0 : i32
    %dma_wait3A_83 = arith.constant 0 : i32
    %dma_wait3A_84 = tpu.memref_slice %arg6[%dma_wait3A_82, %dma_wait3A_83] : memref<10240x128xf32, #tpu.memory_space<vmem_shared>> -> memref<10240x128xf32, #tpu.memory_space<vmem_shared>>
    tpu.wait_indirect_dma semaphore(%arg13 : memref<!tpu.dma_semaphore, #tpu.memory_space<semaphore_mem>>) src(%arg9 : memref<128x128xf32, #tpu.memory_space<vmem>>) dst(%dma_wait3A_84 : memref<10240x128xf32, #tpu.memory_space<vmem_shared>>)
    %dma_wait3A_85 = arith.constant 39 : i32
    %dma_wait3A_86 = arith.constant 0 : i32
    %dma_wait3A_87 = tpu.memref_slice %arg8[%dma_wait3A_85, %dma_wait3A_86] : memref<40x128xi32, #tpu.memory_space<vmem>> -> memref<1x128xi32, #tpu.memory_space<vmem>>
    %dma_wait3A_88 = tpu.memref_squeeze %dma_wait3A_87 : memref<1x128xi32, #tpu.memory_space<vmem>> -> memref<128xi32, #tpu.memory_space<vmem>>
    %dma_wait3A_89 = arith.constant 0 : i32
    %dma_wait3A_90 = arith.constant 0 : i32
    %dma_wait3A_91 = tpu.memref_slice %arg6[%dma_wait3A_89, %dma_wait3A_90] : memref<10240x128xf32, #tpu.memory_space<vmem_shared>> -> memref<10240x128xf32, #tpu.memory_space<vmem_shared>>
    tpu.wait_indirect_dma semaphore(%arg14 : memref<!tpu.dma_semaphore, #tpu.memory_space<semaphore_mem>>) src(%arg10 : memref<128x128xf32, #tpu.memory_space<vmem>>) dst(%dma_wait3A_91 : memref<10240x128xf32, #tpu.memory_space<vmem_shared>>)
    %add3A_92 = arith.constant 40 : i32
    %add3A_93 = arith.addi %mul3A_27, %add3A_92 : i32
    "tpu.region"() ({
      %run_scoped3A = tpu.sem_alloc : memref<!tpu.dma_semaphore, #tpu.memory_space<semaphore_mem>>
      %dma_start3A_163 = arith.constant 0 : i32
      %dma_start3A_164 = arith.constant 0 : i32
      %dma_start3A_165 = tpu.memref_slice %arg7[%dma_start3A_163, %dma_start3A_164] : memref<40x128xi32, #tpu.memory_space<vmem>> -> memref<40x128xi32, #tpu.memory_space<vmem>>
      %dma_start3A_166 = arith.constant 0 : i32
      %dma_start3A_167 = tpu.memref_slice %arg3[%add3A_93, %dma_start3A_166] : memref<2560x128xi32, #tpu.memory_space<hbm>> -> memref<40x128xi32, #tpu.memory_space<hbm>>
      %dma_start3A_168 = arith.constant 0 : i32
      %dma_start3A_169 = arith.constant 0 : i32
      %dma_start3A_170 = tpu.memref_slice %arg7[%dma_start3A_168, %dma_start3A_169] : memref<40x128xi32, #tpu.memory_space<vmem>> -> memref<40x128xi32, #tpu.memory_space<vmem>>
      %dma_start3A_171 = arith.constant 0 : i32
      %dma_start3A_172 = tpu.memref_slice %arg3[%add3A_93, %dma_start3A_171] : memref<2560x128xi32, #tpu.memory_space<hbm>> -> memref<40x128xi32, #tpu.memory_space<hbm>>
      tpu.enqueue_dma source(%dma_start3A_172 : memref<40x128xi32, #tpu.memory_space<hbm>>) target(%dma_start3A_170 : memref<40x128xi32, #tpu.memory_space<vmem>>) target_semaphore(%run_scoped3A : memref<!tpu.dma_semaphore, #tpu.memory_space<semaphore_mem>>)
      %dma_wait3A_173 = arith.constant 0 : i32
      %dma_wait3A_174 = arith.constant 0 : i32
      %dma_wait3A_175 = tpu.memref_slice %arg7[%dma_wait3A_173, %dma_wait3A_174] : memref<40x128xi32, #tpu.memory_space<vmem>> -> memref<40x128xi32, #tpu.memory_space<vmem>>
      %dma_wait3A_176 = arith.constant 0 : i32
      %dma_wait3A_177 = tpu.memref_slice %arg3[%add3A_93, %dma_wait3A_176] : memref<2560x128xi32, #tpu.memory_space<hbm>> -> memref<40x128xi32, #tpu.memory_space<hbm>>
      %dma_wait3A_178 = arith.constant 0 : i32
      %dma_wait3A_179 = arith.constant 0 : i32
      %dma_wait3A_180 = tpu.memref_slice %arg7[%dma_wait3A_178, %dma_wait3A_179] : memref<40x128xi32, #tpu.memory_space<vmem>> -> memref<40x128xi32, #tpu.memory_space<vmem>>
      %dma_wait3A_181 = arith.constant 0 : i32
      %dma_wait3A_182 = tpu.memref_slice %arg3[%add3A_93, %dma_wait3A_181] : memref<2560x128xi32, #tpu.memory_space<hbm>> -> memref<40x128xi32, #tpu.memory_space<hbm>>
      tpu.wait_dma2 semaphore(%run_scoped3A : memref<!tpu.dma_semaphore, #tpu.memory_space<semaphore_mem>>) src(%dma_wait3A_182 : memref<40x128xi32, #tpu.memory_space<hbm>>) dst(%dma_wait3A_180 : memref<40x128xi32, #tpu.memory_space<vmem>>)
      tpu.yield
    }) : () -> ()
    %add3A_94 = arith.constant 40 : i32
    %add3A_95 = arith.addi %mul3A_27, %add3A_94 : i32
    "tpu.region"() ({
      %run_scoped3A = tpu.sem_alloc : memref<!tpu.dma_semaphore, #tpu.memory_space<semaphore_mem>>
      %dma_start3A_163 = arith.constant 0 : i32
      %dma_start3A_164 = arith.constant 0 : i32
      %dma_start3A_165 = tpu.memref_slice %arg8[%dma_start3A_163, %dma_start3A_164] : memref<40x128xi32, #tpu.memory_space<vmem>> -> memref<40x128xi32, #tpu.memory_space<vmem>>
      %dma_start3A_166 = arith.constant 0 : i32
      %dma_start3A_167 = tpu.memref_slice %arg4[%add3A_95, %dma_start3A_166] : memref<2560x128xi32, #tpu.memory_space<hbm>> -> memref<40x128xi32, #tpu.memory_space<hbm>>
      %dma_start3A_168 = arith.constant 0 : i32
      %dma_start3A_169 = arith.constant 0 : i32
      %dma_start3A_170 = tpu.memref_slice %arg8[%dma_start3A_168, %dma_start3A_169] : memref<40x128xi32, #tpu.memory_space<vmem>> -> memref<40x128xi32, #tpu.memory_space<vmem>>
      %dma_start3A_171 = arith.constant 0 : i32
      %dma_start3A_172 = tpu.memref_slice %arg4[%add3A_95, %dma_start3A_171] : memref<2560x128xi32, #tpu.memory_space<hbm>> -> memref<40x128xi32, #tpu.memory_space<hbm>>
      tpu.enqueue_dma source(%dma_start3A_172 : memref<40x128xi32, #tpu.memory_space<hbm>>) target(%dma_start3A_170 : memref<40x128xi32, #tpu.memory_space<vmem>>) target_semaphore(%run_scoped3A : memref<!tpu.dma_semaphore, #tpu.memory_space<semaphore_mem>>)
      %dma_wait3A_173 = arith.constant 0 : i32
      %dma_wait3A_174 = arith.constant 0 : i32
      %dma_wait3A_175 = tpu.memref_slice %arg8[%dma_wait3A_173, %dma_wait3A_174] : memref<40x128xi32, #tpu.memory_space<vmem>> -> memref<40x128xi32, #tpu.memory_space<vmem>>
      %dma_wait3A_176 = arith.constant 0 : i32
      %dma_wait3A_177 = tpu.memref_slice %arg4[%add3A_95, %dma_wait3A_176] : memref<2560x128xi32, #tpu.memory_space<hbm>> -> memref<40x128xi32, #tpu.memory_space<hbm>>
      %dma_wait3A_178 = arith.constant 0 : i32
      %dma_wait3A_179 = arith.constant 0 : i32
      %dma_wait3A_180 = tpu.memref_slice %arg8[%dma_wait3A_178, %dma_wait3A_179] : memref<40x128xi32, #tpu.memory_space<vmem>> -> memref<40x128xi32, #tpu.memory_space<vmem>>
      %dma_wait3A_181 = arith.constant 0 : i32
      %dma_wait3A_182 = tpu.memref_slice %arg4[%add3A_95, %dma_wait3A_181] : memref<2560x128xi32, #tpu.memory_space<hbm>> -> memref<40x128xi32, #tpu.memory_space<hbm>>
      tpu.wait_dma2 semaphore(%run_scoped3A : memref<!tpu.dma_semaphore, #tpu.memory_space<semaphore_mem>>) src(%dma_wait3A_182 : memref<40x128xi32, #tpu.memory_space<hbm>>) dst(%dma_wait3A_180 : memref<40x128xi32, #tpu.memory_space<vmem>>)
      tpu.yield
    }) : () -> ()
    %dma_start3A_96 = arith.constant 0 : i32
    %dma_start3A_97 = arith.constant 0 : i32
    %dma_start3A_98 = tpu.memref_slice %arg7[%dma_start3A_96, %dma_start3A_97] : memref<40x128xi32, #tpu.memory_space<vmem>> -> memref<1x128xi32, #tpu.memory_space<vmem>>
    %dma_start3A_99 = tpu.memref_squeeze %dma_start3A_98 : memref<1x128xi32, #tpu.memory_space<vmem>> -> memref<128xi32, #tpu.memory_space<vmem>>
    %dma_start3A_100 = arith.constant 0 : i32
    %dma_start3A_101 = arith.constant 0 : i32
    %dma_start3A_102 = tpu.memref_slice %arg2[%dma_start3A_100, %dma_start3A_101] : memref<10240x128xf32, #tpu.memory_space<hbm>> -> memref<10240x128xf32, #tpu.memory_space<hbm>>
    tpu.enqueue_indirect_dma source(%dma_start3A_102 : memref<10240x128xf32, #tpu.memory_space<hbm>>) target(%arg9 : memref<128x128xf32, #tpu.memory_space<vmem>>) offsets(%dma_start3A_99 : memref<128xi32, #tpu.memory_space<vmem>>) semaphore(%arg11 : memref<!tpu.dma_semaphore, #tpu.memory_space<semaphore_mem>>)
    %dma_start3A_103 = arith.constant 1 : i32
    %dma_start3A_104 = arith.constant 0 : i32
    %dma_start3A_105 = tpu.memref_slice %arg7[%dma_start3A_103, %dma_start3A_104] : memref<40x128xi32, #tpu.memory_space<vmem>> -> memref<1x128xi32, #tpu.memory_space<vmem>>
    %dma_start3A_106 = tpu.memref_squeeze %dma_start3A_105 : memref<1x128xi32, #tpu.memory_space<vmem>> -> memref<128xi32, #tpu.memory_space<vmem>>
    %dma_start3A_107 = arith.constant 0 : i32
    %dma_start3A_108 = arith.constant 0 : i32
    %dma_start3A_109 = tpu.memref_slice %arg2[%dma_start3A_107, %dma_start3A_108] : memref<10240x128xf32, #tpu.memory_space<hbm>> -> memref<10240x128xf32, #tpu.memory_space<hbm>>
    tpu.enqueue_indirect_dma source(%dma_start3A_109 : memref<10240x128xf32, #tpu.memory_space<hbm>>) target(%arg10 : memref<128x128xf32, #tpu.memory_space<vmem>>) offsets(%dma_start3A_106 : memref<128xi32, #tpu.memory_space<vmem>>) semaphore(%arg12 : memref<!tpu.dma_semaphore, #tpu.memory_space<semaphore_mem>>)
    %scan3A_110 = arith.constant 0 : i32
    %scan3A_111 = arith.constant 0 : i32
    %scan3A_112 = arith.constant 19 : i32
    %scan3A_113 = arith.addi %scan3A_111, %scan3A_112 : i32
    %scan3A_114 = arith.constant 1 : i32
    scf.for %scan3A_163 = %scan3A_111 to %scan3A_113 step %scan3A_114  : i32 {
      %mul3A_164 = arith.constant 2 : i32
      %mul3A_165 = arith.muli %scan3A_163, %mul3A_164 : i32
      %add3A_166 = arith.constant 0 : i32
      %add3A_167 = arith.addi %mul3A_165, %add3A_166 : i32
      %dma_wait3A_168 = arith.constant 0 : i32
      %dma_wait3A_169 = tpu.memref_slice %arg7[%add3A_167, %dma_wait3A_168] : memref<40x128xi32, #tpu.memory_space<vmem>> -> memref<1x128xi32, #tpu.memory_space<vmem>>
      %dma_wait3A_170 = tpu.memref_squeeze %dma_wait3A_169 : memref<1x128xi32, #tpu.memory_space<vmem>> -> memref<128xi32, #tpu.memory_space<vmem>>
      %dma_wait3A_171 = arith.constant 0 : i32
      %dma_wait3A_172 = arith.constant 0 : i32
      %dma_wait3A_173 = tpu.memref_slice %arg2[%dma_wait3A_171, %dma_wait3A_172] : memref<10240x128xf32, #tpu.memory_space<hbm>> -> memref<10240x128xf32, #tpu.memory_space<hbm>>
      tpu.wait_indirect_dma semaphore(%arg11 : memref<!tpu.dma_semaphore, #tpu.memory_space<semaphore_mem>>) src(%dma_wait3A_173 : memref<10240x128xf32, #tpu.memory_space<hbm>>) dst(%arg9 : memref<128x128xf32, #tpu.memory_space<vmem>>)
      %dma_start3A_174 = arith.constant 0 : i32
      %dma_start3A_175 = tpu.memref_slice %arg8[%add3A_167, %dma_start3A_174] : memref<40x128xi32, #tpu.memory_space<vmem>> -> memref<1x128xi32, #tpu.memory_space<vmem>>
      %dma_start3A_176 = tpu.memref_squeeze %dma_start3A_175 : memref<1x128xi32, #tpu.memory_space<vmem>> -> memref<128xi32, #tpu.memory_space<vmem>>
      %dma_start3A_177 = arith.constant 0 : i32
      %dma_start3A_178 = arith.constant 0 : i32
      %dma_start3A_179 = tpu.memref_slice %arg6[%dma_start3A_177, %dma_start3A_178] : memref<10240x128xf32, #tpu.memory_space<vmem_shared>> -> memref<10240x128xf32, #tpu.memory_space<vmem_shared>>
      tpu.enqueue_indirect_dma source(%arg9 : memref<128x128xf32, #tpu.memory_space<vmem>>) target(%dma_start3A_179 : memref<10240x128xf32, #tpu.memory_space<vmem_shared>>) offsets(%dma_start3A_176 : memref<128xi32, #tpu.memory_space<vmem>>) semaphore(%arg13 : memref<!tpu.dma_semaphore, #tpu.memory_space<semaphore_mem>>) {add = true}
      %mul3A_180 = arith.constant 2 : i32
      %mul3A_181 = arith.muli %scan3A_163, %mul3A_180 : i32
      %add3A_182 = arith.constant 1 : i32
      %add3A_183 = arith.addi %mul3A_181, %add3A_182 : i32
      %dma_wait3A_184 = arith.constant 0 : i32
      %dma_wait3A_185 = tpu.memref_slice %arg7[%add3A_183, %dma_wait3A_184] : memref<40x128xi32, #tpu.memory_space<vmem>> -> memref<1x128xi32, #tpu.memory_space<vmem>>
      %dma_wait3A_186 = tpu.memref_squeeze %dma_wait3A_185 : memref<1x128xi32, #tpu.memory_space<vmem>> -> memref<128xi32, #tpu.memory_space<vmem>>
      %dma_wait3A_187 = arith.constant 0 : i32
      %dma_wait3A_188 = arith.constant 0 : i32
      %dma_wait3A_189 = tpu.memref_slice %arg2[%dma_wait3A_187, %dma_wait3A_188] : memref<10240x128xf32, #tpu.memory_space<hbm>> -> memref<10240x128xf32, #tpu.memory_space<hbm>>
      tpu.wait_indirect_dma semaphore(%arg12 : memref<!tpu.dma_semaphore, #tpu.memory_space<semaphore_mem>>) src(%dma_wait3A_189 : memref<10240x128xf32, #tpu.memory_space<hbm>>) dst(%arg10 : memref<128x128xf32, #tpu.memory_space<vmem>>)
      %dma_start3A_190 = arith.constant 0 : i32
      %dma_start3A_191 = tpu.memref_slice %arg8[%add3A_183, %dma_start3A_190] : memref<40x128xi32, #tpu.memory_space<vmem>> -> memref<1x128xi32, #tpu.memory_space<vmem>>
      %dma_start3A_192 = tpu.memref_squeeze %dma_start3A_191 : memref<1x128xi32, #tpu.memory_space<vmem>> -> memref<128xi32, #tpu.memory_space<vmem>>
      %dma_start3A_193 = arith.constant 0 : i32
      %dma_start3A_194 = arith.constant 0 : i32
      %dma_start3A_195 = tpu.memref_slice %arg6[%dma_start3A_193, %dma_start3A_194] : memref<10240x128xf32, #tpu.memory_space<vmem_shared>> -> memref<10240x128xf32, #tpu.memory_space<vmem_shared>>
      tpu.enqueue_indirect_dma source(%arg10 : memref<128x128xf32, #tpu.memory_space<vmem>>) target(%dma_start3A_195 : memref<10240x128xf32, #tpu.memory_space<vmem_shared>>) offsets(%dma_start3A_192 : memref<128xi32, #tpu.memory_space<vmem>>) semaphore(%arg14 : memref<!tpu.dma_semaphore, #tpu.memory_space<semaphore_mem>>) {add = true}
      %mul3A_196 = arith.constant 2 : i32
      %mul3A_197 = arith.muli %scan3A_163, %mul3A_196 : i32
      %add3A_198 = arith.constant 0 : i32
      %add3A_199 = arith.addi %mul3A_197, %add3A_198 : i32
      %dma_wait3A_200 = arith.constant 0 : i32
      %dma_wait3A_201 = tpu.memref_slice %arg8[%add3A_199, %dma_wait3A_200] : memref<40x128xi32, #tpu.memory_space<vmem>> -> memref<1x128xi32, #tpu.memory_space<vmem>>
      %dma_wait3A_202 = tpu.memref_squeeze %dma_wait3A_201 : memref<1x128xi32, #tpu.memory_space<vmem>> -> memref<128xi32, #tpu.memory_space<vmem>>
      %dma_wait3A_203 = arith.constant 0 : i32
      %dma_wait3A_204 = arith.constant 0 : i32
      %dma_wait3A_205 = tpu.memref_slice %arg6[%dma_wait3A_203, %dma_wait3A_204] : memref<10240x128xf32, #tpu.memory_space<vmem_shared>> -> memref<10240x128xf32, #tpu.memory_space<vmem_shared>>
      tpu.wait_indirect_dma semaphore(%arg13 : memref<!tpu.dma_semaphore, #tpu.memory_space<semaphore_mem>>) src(%arg9 : memref<128x128xf32, #tpu.memory_space<vmem>>) dst(%dma_wait3A_205 : memref<10240x128xf32, #tpu.memory_space<vmem_shared>>)
      %add3A_206 = arith.constant 2 : i32
      %add3A_207 = arith.addi %add3A_199, %add3A_206 : i32
      %dma_start3A_208 = arith.constant 0 : i32
      %dma_start3A_209 = tpu.memref_slice %arg7[%add3A_207, %dma_start3A_208] : memref<40x128xi32, #tpu.memory_space<vmem>> -> memref<1x128xi32, #tpu.memory_space<vmem>>
      %dma_start3A_210 = tpu.memref_squeeze %dma_start3A_209 : memref<1x128xi32, #tpu.memory_space<vmem>> -> memref<128xi32, #tpu.memory_space<vmem>>
      %dma_start3A_211 = arith.constant 0 : i32
      %dma_start3A_212 = arith.constant 0 : i32
      %dma_start3A_213 = tpu.memref_slice %arg2[%dma_start3A_211, %dma_start3A_212] : memref<10240x128xf32, #tpu.memory_space<hbm>> -> memref<10240x128xf32, #tpu.memory_space<hbm>>
      tpu.enqueue_indirect_dma source(%dma_start3A_213 : memref<10240x128xf32, #tpu.memory_space<hbm>>) target(%arg9 : memref<128x128xf32, #tpu.memory_space<vmem>>) offsets(%dma_start3A_210 : memref<128xi32, #tpu.memory_space<vmem>>) semaphore(%arg11 : memref<!tpu.dma_semaphore, #tpu.memory_space<semaphore_mem>>)
      %mul3A_214 = arith.constant 2 : i32
      %mul3A_215 = arith.muli %scan3A_163, %mul3A_214 : i32
      %add3A_216 = arith.constant 1 : i32
      %add3A_217 = arith.addi %mul3A_215, %add3A_216 : i32
      %dma_wait3A_218 = arith.constant 0 : i32
      %dma_wait3A_219 = tpu.memref_slice %arg8[%add3A_217, %dma_wait3A_218] : memref<40x128xi32, #tpu.memory_space<vmem>> -> memref<1x128xi32, #tpu.memory_space<vmem>>
      %dma_wait3A_220 = tpu.memref_squeeze %dma_wait3A_219 : memref<1x128xi32, #tpu.memory_space<vmem>> -> memref<128xi32, #tpu.memory_space<vmem>>
      %dma_wait3A_221 = arith.constant 0 : i32
      %dma_wait3A_222 = arith.constant 0 : i32
      %dma_wait3A_223 = tpu.memref_slice %arg6[%dma_wait3A_221, %dma_wait3A_222] : memref<10240x128xf32, #tpu.memory_space<vmem_shared>> -> memref<10240x128xf32, #tpu.memory_space<vmem_shared>>
      tpu.wait_indirect_dma semaphore(%arg14 : memref<!tpu.dma_semaphore, #tpu.memory_space<semaphore_mem>>) src(%arg10 : memref<128x128xf32, #tpu.memory_space<vmem>>) dst(%dma_wait3A_223 : memref<10240x128xf32, #tpu.memory_space<vmem_shared>>)
      %add3A_224 = arith.constant 2 : i32
      %add3A_225 = arith.addi %add3A_217, %add3A_224 : i32
      %dma_start3A_226 = arith.constant 0 : i32
      %dma_start3A_227 = tpu.memref_slice %arg7[%add3A_225, %dma_start3A_226] : memref<40x128xi32, #tpu.memory_space<vmem>> -> memref<1x128xi32, #tpu.memory_space<vmem>>
      %dma_start3A_228 = tpu.memref_squeeze %dma_start3A_227 : memref<1x128xi32, #tpu.memory_space<vmem>> -> memref<128xi32, #tpu.memory_space<vmem>>
      %dma_start3A_229 = arith.constant 0 : i32
      %dma_start3A_230 = arith.constant 0 : i32
      %dma_start3A_231 = tpu.memref_slice %arg2[%dma_start3A_229, %dma_start3A_230] : memref<10240x128xf32, #tpu.memory_space<hbm>> -> memref<10240x128xf32, #tpu.memory_space<hbm>>
      tpu.enqueue_indirect_dma source(%dma_start3A_231 : memref<10240x128xf32, #tpu.memory_space<hbm>>) target(%arg10 : memref<128x128xf32, #tpu.memory_space<vmem>>) offsets(%dma_start3A_228 : memref<128xi32, #tpu.memory_space<vmem>>) semaphore(%arg12 : memref<!tpu.dma_semaphore, #tpu.memory_space<semaphore_mem>>)
    }
    %scan3A_115 = arith.constant 19 : i32
    %dma_wait3A_116 = arith.constant 38 : i32
    %dma_wait3A_117 = arith.constant 0 : i32
    %dma_wait3A_118 = tpu.memref_slice %arg7[%dma_wait3A_116, %dma_wait3A_117] : memref<40x128xi32, #tpu.memory_space<vmem>> -> memref<1x128xi32, #tpu.memory_space<vmem>>
    %dma_wait3A_119 = tpu.memref_squeeze %dma_wait3A_118 : memref<1x128xi32, #tpu.memory_space<vmem>> -> memref<128xi32, #tpu.memory_space<vmem>>
    %dma_wait3A_120 = arith.constant 0 : i32
    %dma_wait3A_121 = arith.constant 0 : i32
    %dma_wait3A_122 = tpu.memref_slice %arg2[%dma_wait3A_120, %dma_wait3A_121] : memref<10240x128xf32, #tpu.memory_space<hbm>> -> memref<10240x128xf32, #tpu.memory_space<hbm>>
    tpu.wait_indirect_dma semaphore(%arg11 : memref<!tpu.dma_semaphore, #tpu.memory_space<semaphore_mem>>) src(%dma_wait3A_122 : memref<10240x128xf32, #tpu.memory_space<hbm>>) dst(%arg9 : memref<128x128xf32, #tpu.memory_space<vmem>>)
    %dma_start3A_123 = arith.constant 38 : i32
    %dma_start3A_124 = arith.constant 0 : i32
    %dma_start3A_125 = tpu.memref_slice %arg8[%dma_start3A_123, %dma_start3A_124] : memref<40x128xi32, #tpu.memory_space<vmem>> -> memref<1x128xi32, #tpu.memory_space<vmem>>
    %dma_start3A_126 = tpu.memref_squeeze %dma_start3A_125 : memref<1x128xi32, #tpu.memory_space<vmem>> -> memref<128xi32, #tpu.memory_space<vmem>>
    %dma_start3A_127 = arith.constant 0 : i32
    %dma_start3A_128 = arith.constant 0 : i32
    %dma_start3A_129 = tpu.memref_slice %arg6[%dma_start3A_127, %dma_start3A_128] : memref<10240x128xf32, #tpu.memory_space<vmem_shared>> -> memref<10240x128xf32, #tpu.memory_space<vmem_shared>>
    tpu.enqueue_indirect_dma source(%arg9 : memref<128x128xf32, #tpu.memory_space<vmem>>) target(%dma_start3A_129 : memref<10240x128xf32, #tpu.memory_space<vmem_shared>>) offsets(%dma_start3A_126 : memref<128xi32, #tpu.memory_space<vmem>>) semaphore(%arg13 : memref<!tpu.dma_semaphore, #tpu.memory_space<semaphore_mem>>) {add = true}
    %dma_wait3A_130 = arith.constant 39 : i32
    %dma_wait3A_131 = arith.constant 0 : i32
    %dma_wait3A_132 = tpu.memref_slice %arg7[%dma_wait3A_130, %dma_wait3A_131] : memref<40x128xi32, #tpu.memory_space<vmem>> -> memref<1x128xi32, #tpu.memory_space<vmem>>
    %dma_wait3A_133 = tpu.memref_squeeze %dma_wait3A_132 : memref<1x128xi32, #tpu.memory_space<vmem>> -> memref<128xi32, #tpu.memory_space<vmem>>
    %dma_wait3A_134 = arith.constant 0 : i32
    %dma_wait3A_135 = arith.constant 0 : i32
    %dma_wait3A_136 = tpu.memref_slice %arg2[%dma_wait3A_134, %dma_wait3A_135] : memref<10240x128xf32, #tpu.memory_space<hbm>> -> memref<10240x128xf32, #tpu.memory_space<hbm>>
    tpu.wait_indirect_dma semaphore(%arg12 : memref<!tpu.dma_semaphore, #tpu.memory_space<semaphore_mem>>) src(%dma_wait3A_136 : memref<10240x128xf32, #tpu.memory_space<hbm>>) dst(%arg10 : memref<128x128xf32, #tpu.memory_space<vmem>>)
    %dma_start3A_137 = arith.constant 39 : i32
    %dma_start3A_138 = arith.constant 0 : i32
    %dma_start3A_139 = tpu.memref_slice %arg8[%dma_start3A_137, %dma_start3A_138] : memref<40x128xi32, #tpu.memory_space<vmem>> -> memref<1x128xi32, #tpu.memory_space<vmem>>
    %dma_start3A_140 = tpu.memref_squeeze %dma_start3A_139 : memref<1x128xi32, #tpu.memory_space<vmem>> -> memref<128xi32, #tpu.memory_space<vmem>>
    %dma_start3A_141 = arith.constant 0 : i32
    %dma_start3A_142 = arith.constant 0 : i32
    %dma_start3A_143 = tpu.memref_slice %arg6[%dma_start3A_141, %dma_start3A_142] : memref<10240x128xf32, #tpu.memory_space<vmem_shared>> -> memref<10240x128xf32, #tpu.memory_space<vmem_shared>>
    tpu.enqueue_indirect_dma source(%arg10 : memref<128x128xf32, #tpu.memory_space<vmem>>) target(%dma_start3A_143 : memref<10240x128xf32, #tpu.memory_space<vmem_shared>>) offsets(%dma_start3A_140 : memref<128xi32, #tpu.memory_space<vmem>>) semaphore(%arg14 : memref<!tpu.dma_semaphore, #tpu.memory_space<semaphore_mem>>) {add = true}
    %dma_wait3A_144 = arith.constant 38 : i32
    %dma_wait3A_145 = arith.constant 0 : i32
    %dma_wait3A_146 = tpu.memref_slice %arg8[%dma_wait3A_144, %dma_wait3A_145] : memref<40x128xi32, #tpu.memory_space<vmem>> -> memref<1x128xi32, #tpu.memory_space<vmem>>
    %dma_wait3A_147 = tpu.memref_squeeze %dma_wait3A_146 : memref<1x128xi32, #tpu.memory_space<vmem>> -> memref<128xi32, #tpu.memory_space<vmem>>
    %dma_wait3A_148 = arith.constant 0 : i32
    %dma_wait3A_149 = arith.constant 0 : i32
    %dma_wait3A_150 = tpu.memref_slice %arg6[%dma_wait3A_148, %dma_wait3A_149] : memref<10240x128xf32, #tpu.memory_space<vmem_shared>> -> memref<10240x128xf32, #tpu.memory_space<vmem_shared>>
    tpu.wait_indirect_dma semaphore(%arg13 : memref<!tpu.dma_semaphore, #tpu.memory_space<semaphore_mem>>) src(%arg9 : memref<128x128xf32, #tpu.memory_space<vmem>>) dst(%dma_wait3A_150 : memref<10240x128xf32, #tpu.memory_space<vmem_shared>>)
    %dma_wait3A_151 = arith.constant 39 : i32
    %dma_wait3A_152 = arith.constant 0 : i32
    %dma_wait3A_153 = tpu.memref_slice %arg8[%dma_wait3A_151, %dma_wait3A_152] : memref<40x128xi32, #tpu.memory_space<vmem>> -> memref<1x128xi32, #tpu.memory_space<vmem>>
    %dma_wait3A_154 = tpu.memref_squeeze %dma_wait3A_153 : memref<1x128xi32, #tpu.memory_space<vmem>> -> memref<128xi32, #tpu.memory_space<vmem>>
    %dma_wait3A_155 = arith.constant 0 : i32
    %dma_wait3A_156 = arith.constant 0 : i32
    %dma_wait3A_157 = tpu.memref_slice %arg6[%dma_wait3A_155, %dma_wait3A_156] : memref<10240x128xf32, #tpu.memory_space<vmem_shared>> -> memref<10240x128xf32, #tpu.memory_space<vmem_shared>>
    tpu.wait_indirect_dma semaphore(%arg14 : memref<!tpu.dma_semaphore, #tpu.memory_space<semaphore_mem>>) src(%arg10 : memref<128x128xf32, #tpu.memory_space<vmem>>) dst(%dma_wait3A_157 : memref<10240x128xf32, #tpu.memory_space<vmem_shared>>)
    %barrier3A_158 = arith.constant 0 : index
    tpu.barrier barrier_id(%barrier3A_158)
    %mul3A_159 = arith.constant 640 : i32
    %mul3A_160 = arith.muli %arg1, %mul3A_159 : i32
    %mul3A_161 = arith.constant 640 : i32
    %mul3A_162 = arith.muli %arg1, %mul3A_161 : i32
    "tpu.region"() ({
      %run_scoped3A = tpu.sem_alloc : memref<!tpu.dma_semaphore, #tpu.memory_space<semaphore_mem>>
      %dma_start3A_163 = arith.constant 0 : i32
      %dma_start3A_164 = tpu.memref_slice %arg5[%arg0, %mul3A_162, %dma_start3A_163] : memref<2x10240x128xf32, #tpu.memory_space<hbm>> -> memref<1x640x128xf32, #tpu.memory_space<hbm>>
      %dma_start3A_165 = tpu.memref_squeeze %dma_start3A_164 : memref<1x640x128xf32, #tpu.memory_space<hbm>> -> memref<640x128xf32, #tpu.memory_space<hbm>>
      %dma_start3A_166 = arith.constant 0 : i32
      %dma_start3A_167 = tpu.memref_slice %arg6[%mul3A_160, %dma_start3A_166] : memref<10240x128xf32, #tpu.memory_space<vmem_shared>> -> memref<640x128xf32, #tpu.memory_space<vmem_shared>>
      tpu.enqueue_dma source(%dma_start3A_167 : memref<640x128xf32, #tpu.memory_space<vmem_shared>>) target(%dma_start3A_165 : memref<640x128xf32, #tpu.memory_space<hbm>>) target_semaphore(%run_scoped3A : memref<!tpu.dma_semaphore, #tpu.memory_space<semaphore_mem>>)
      %dma_wait3A_168 = arith.constant 0 : i32
      %dma_wait3A_169 = tpu.memref_slice %arg5[%arg0, %mul3A_162, %dma_wait3A_168] : memref<2x10240x128xf32, #tpu.memory_space<hbm>> -> memref<1x640x128xf32, #tpu.memory_space<hbm>>
      %dma_wait3A_170 = tpu.memref_squeeze %dma_wait3A_169 : memref<1x640x128xf32, #tpu.memory_space<hbm>> -> memref<640x128xf32, #tpu.memory_space<hbm>>
      %dma_wait3A_171 = arith.constant 0 : i32
      %dma_wait3A_172 = tpu.memref_slice %arg6[%mul3A_160, %dma_wait3A_171] : memref<10240x128xf32, #tpu.memory_space<vmem_shared>> -> memref<640x128xf32, #tpu.memory_space<vmem_shared>>
      tpu.wait_dma2 semaphore(%run_scoped3A : memref<!tpu.dma_semaphore, #tpu.memory_space<semaphore_mem>>) src(%dma_wait3A_172 : memref<640x128xf32, #tpu.memory_space<vmem_shared>>) dst(%dma_wait3A_170 : memref<640x128xf32, #tpu.memory_space<hbm>>)
      tpu.yield
    }) : () -> ()
    return
  }
}

module attributes {stable_mosaic.version = 14 : i64} {
  func.func @_scale_body(%arg0: i32, %arg1: memref<1024x128xf32, #tpu.memory_space<vmem>>, %arg2: memref<1024x1xf32, #tpu.memory_space<vmem>>, %arg3: memref<1024x128xf32, #tpu.memory_space<vmem>>) attributes {dimension_semantics = [#tpu.dimension_semantics<arbitrary>], iteration_bounds = array<i64: 10>, scalar_prefetch = 0 : i64, scratch_operands = 0 : i64, tpu.core_type = #tpu.core_type<tc>, window_params = [{transform_indices = @transform_0, window_bounds = array<i64: 1024, 128>}, {transform_indices = @transform_1, window_bounds = array<i64: 1024, 1>}, {transform_indices = @transform_2, window_bounds = array<i64: 1024, 128>}]} {
    %get3A = arith.constant 0 : index
    %get3A_0 = arith.constant 0 : index
    %get3A_1 = vector.load %arg2[%get3A, %get3A_0] : memref<1024x1xf32, #tpu.memory_space<vmem>>, vector<1024x1xf32>
    %max3A = arith.constant 1.000000e+00 : f32
    %max3A_2 = vector.broadcast %max3A : f32 to vector<1024x1xf32>
    %max3A_3 = arith.maximumf %get3A_1, %max3A_2 : vector<1024x1xf32>
    %rsqrt3A = math.rsqrt %max3A_3 : vector<1024x1xf32>
    %get3A_4 = arith.constant 0 : index
    %get3A_5 = arith.constant 0 : index
    %get3A_6 = vector.load %arg1[%get3A_4, %get3A_5] : memref<1024x128xf32, #tpu.memory_space<vmem>>, vector<1024x128xf32>
    %mul3A = vector.broadcast %rsqrt3A : vector<1024x1xf32> to vector<1024x128xf32>
    %mul3A_7 = arith.mulf %get3A_6, %mul3A : vector<1024x128xf32>
    %swap3A = arith.constant 0 : index
    %swap3A_8 = arith.constant 0 : index
    %swap3A_9 = vector.load %arg3[%swap3A, %swap3A_8] : memref<1024x128xf32, #tpu.memory_space<vmem>>, vector<1024x128xf32>
    tpu.vector_store %arg3[%swap3A, %swap3A_8], %mul3A_7 {strides = array<i32>} : memref<1024x128xf32, #tpu.memory_space<vmem>>, vector<1024x128xf32>,
    return
  }
  func.func @transform_0(%arg0: i32) -> (i32, i32) {
    %c0_i32 = arith.constant 0 : i32
    %c0_i32_0 = arith.constant 0 : i32
    return %arg0, %c0_i32 : i32, i32
  }
  func.func @transform_1(%arg0: i32) -> (i32, i32) {
    %c0_i32 = arith.constant 0 : i32
    %c0_i32_0 = arith.constant 0 : i32
    return %arg0, %c0_i32 : i32, i32
  }
  func.func @transform_2(%arg0: i32) -> (i32, i32) {
    %c0_i32 = arith.constant 0 : i32
    %c0_i32_0 = arith.constant 0 : i32
    return %arg0, %c0_i32 : i32, i32
  }
}

module attributes {stable_mosaic.version = 14 : i64} {
  func.func @_mlp_body(%arg0: i32, %arg1: memref<1024x128xf32, #tpu.memory_space<vmem>>, %arg2: memref<1024x128xf32, #tpu.memory_space<vmem>>, %arg3: memref<1024x1xf32, #tpu.memory_space<vmem>>, %arg4: memref<128x128xf32, #tpu.memory_space<vmem>>, %arg5: memref<1x128xf32, #tpu.memory_space<vmem>>, %arg6: memref<128x128xf32, #tpu.memory_space<vmem>>, %arg7: memref<1x128xf32, #tpu.memory_space<vmem>>, %arg8: memref<1024x128xf32, #tpu.memory_space<vmem>>) attributes {dimension_semantics = [#tpu.dimension_semantics<arbitrary>], iteration_bounds = array<i64: 10>, scalar_prefetch = 0 : i64, scratch_operands = 0 : i64, tpu.core_type = #tpu.core_type<tc>, window_params = [{transform_indices = @transform_0, window_bounds = array<i64: 1024, 128>}, {transform_indices = @transform_1, window_bounds = array<i64: 1024, 128>}, {transform_indices = @transform_2, window_bounds = array<i64: 1024, 1>}, {pipeline_mode = #tpu.pipeline_mode<synchronous>, transform_indices = @transform_3, window_bounds = array<i64: 128, 128>}, {pipeline_mode = #tpu.pipeline_mode<synchronous>, transform_indices = @transform_4, window_bounds = array<i64: 1, 128>}, {pipeline_mode = #tpu.pipeline_mode<synchronous>, transform_indices = @transform_5, window_bounds = array<i64: 128, 128>}, {pipeline_mode = #tpu.pipeline_mode<synchronous>, transform_indices = @transform_6, window_bounds = array<i64: 1, 128>}, {transform_indices = @transform_7, window_bounds = array<i64: 1024, 128>}]} {
    %get3A = arith.constant 0 : index
    %get3A_0 = arith.constant 0 : index
    %get3A_1 = vector.load %arg3[%get3A, %get3A_0] : memref<1024x1xf32, #tpu.memory_space<vmem>>, vector<1024x1xf32>
    %max3A = arith.constant 1.000000e+00 : f32
    %max3A_2 = vector.broadcast %max3A : f32 to vector<1024x1xf32>
    %max3A_3 = arith.maximumf %get3A_1, %max3A_2 : vector<1024x1xf32>
    %rsqrt3A = math.rsqrt %max3A_3 : vector<1024x1xf32>
    %get3A_4 = arith.constant 0 : index
    %get3A_5 = arith.constant 0 : index
    %get3A_6 = vector.load %arg1[%get3A_4, %get3A_5] : memref<1024x128xf32, #tpu.memory_space<vmem>>, vector<1024x128xf32>
    %get3A_7 = arith.constant 0 : index
    %get3A_8 = arith.constant 0 : index
    %get3A_9 = vector.load %arg2[%get3A_7, %get3A_8] : memref<1024x128xf32, #tpu.memory_space<vmem>>, vector<1024x128xf32>
    %add3A = arith.addf %get3A_6, %get3A_9 : vector<1024x128xf32>
    %mul3A = vector.broadcast %rsqrt3A : vector<1024x1xf32> to vector<1024x128xf32>
    %mul3A_10 = arith.mulf %add3A, %mul3A : vector<1024x128xf32>
    %get3A_11 = arith.constant 0 : index
    %get3A_12 = arith.constant 0 : index
    %get3A_13 = vector.load %arg4[%get3A_11, %get3A_12] : memref<128x128xf32, #tpu.memory_space<vmem>>, vector<128x128xf32>
    %dot_general3A = arith.constant dense<0.000000e+00> : vector<1024x128xf32>
    %dot_general3A_14 = tpu.matmul %mul3A_10, %get3A_13, %dot_general3A {dimension_numbers = #tpu.dot_dimension_numbers<[1], [0], [0], [1], [0, 0, 1, 1], [], []>, transpose_lhs_hint = false} : vector<1024x128xf32>, vector<128x128xf32>, vector<1024x128xf32> -> vector<1024x128xf32>
    %get3A_15 = arith.constant 0 : index
    %get3A_16 = arith.constant 0 : index
    %get3A_17 = vector.load %arg5[%get3A_15, %get3A_16] : memref<1x128xf32, #tpu.memory_space<vmem>>, vector<1x128xf32>
    %add3A_18 = vector.broadcast %get3A_17 : vector<1x128xf32> to vector<1024x128xf32>
    %add3A_19 = arith.addf %dot_general3A_14, %add3A_18 : vector<1024x128xf32>
    %mul3A_20 = arith.constant 5.000000e-01 : f32
    %mul3A_21 = vector.broadcast %mul3A_20 : f32 to vector<1024x128xf32>
    %mul3A_22 = arith.mulf %mul3A_21, %add3A_19 : vector<1024x128xf32>
    %mul3A_23 = arith.constant 0.707106769 : f32
    %mul3A_24 = vector.broadcast %mul3A_23 : f32 to vector<1024x128xf32>
    %mul3A_25 = arith.mulf %add3A_19, %mul3A_24 : vector<1024x128xf32>
    %erf3A = math.erf %mul3A_25 : vector<1024x128xf32>
    %add3A_26 = arith.constant 1.000000e+00 : f32
    %add3A_27 = vector.broadcast %add3A_26 : f32 to vector<1024x128xf32>
    %add3A_28 = arith.addf %add3A_27, %erf3A : vector<1024x128xf32>
    %mul3A_29 = arith.mulf %mul3A_22, %add3A_28 : vector<1024x128xf32>
    %get3A_30 = arith.constant 0 : index
    %get3A_31 = arith.constant 0 : index
    %get3A_32 = vector.load %arg6[%get3A_30, %get3A_31] : memref<128x128xf32, #tpu.memory_space<vmem>>, vector<128x128xf32>
    %dot_general3A_33 = arith.constant dense<0.000000e+00> : vector<1024x128xf32>
    %dot_general3A_34 = tpu.matmul %mul3A_29, %get3A_32, %dot_general3A_33 {dimension_numbers = #tpu.dot_dimension_numbers<[1], [0], [0], [1], [0, 0, 1, 1], [], []>, transpose_lhs_hint = false} : vector<1024x128xf32>, vector<128x128xf32>, vector<1024x128xf32> -> vector<1024x128xf32>
    %get3A_35 = arith.constant 0 : index
    %get3A_36 = arith.constant 0 : index
    %get3A_37 = vector.load %arg7[%get3A_35, %get3A_36] : memref<1x128xf32, #tpu.memory_space<vmem>>, vector<1x128xf32>
    %add3A_38 = vector.broadcast %get3A_37 : vector<1x128xf32> to vector<1024x128xf32>
    %add3A_39 = arith.addf %dot_general3A_34, %add3A_38 : vector<1024x128xf32>
    %swap3A = arith.constant 0 : index
    %swap3A_40 = arith.constant 0 : index
    %swap3A_41 = vector.load %arg8[%swap3A, %swap3A_40] : memref<1024x128xf32, #tpu.memory_space<vmem>>, vector<1024x128xf32>
    tpu.vector_store %arg8[%swap3A, %swap3A_40], %add3A_39 {strides = array<i32>} : memref<1024x128xf32, #tpu.memory_space<vmem>>, vector<1024x128xf32>,
    return
  }
  func.func @transform_0(%arg0: i32) -> (i32, i32) {
    %c0_i32 = arith.constant 0 : i32
    %c0_i32_0 = arith.constant 0 : i32
    return %arg0, %c0_i32 : i32, i32
  }
  func.func @transform_1(%arg0: i32) -> (i32, i32) {
    %c0_i32 = arith.constant 0 : i32
    %c0_i32_0 = arith.constant 0 : i32
    return %arg0, %c0_i32 : i32, i32
  }
  func.func @transform_2(%arg0: i32) -> (i32, i32) {
    %c0_i32 = arith.constant 0 : i32
    %c0_i32_0 = arith.constant 0 : i32
    return %arg0, %c0_i32 : i32, i32
  }
  func.func @transform_3(%arg0: i32) -> (i32, i32) {
    %c0_i32 = arith.constant 0 : i32
    %c0_i32_0 = arith.constant 0 : i32
    %c0_i32_1 = arith.constant 0 : i32
    return %c0_i32, %c0_i32_0 : i32, i32
  }
  func.func @transform_4(%arg0: i32) -> (i32, i32) {
    %c0_i32 = arith.constant 0 : i32
    %c0_i32_0 = arith.constant 0 : i32
    %c0_i32_1 = arith.constant 0 : i32
    return %c0_i32, %c0_i32_0 : i32, i32
  }
  func.func @transform_5(%arg0: i32) -> (i32, i32) {
    %c0_i32 = arith.constant 0 : i32
    %c0_i32_0 = arith.constant 0 : i32
    %c0_i32_1 = arith.constant 0 : i32
    return %c0_i32, %c0_i32_0 : i32, i32
  }
  func.func @transform_6(%arg0: i32) -> (i32, i32) {
    %c0_i32 = arith.constant 0 : i32
    %c0_i32_0 = arith.constant 0 : i32
    %c0_i32_1 = arith.constant 0 : i32
    return %c0_i32, %c0_i32_0 : i32, i32
  }
  func.func @transform_7(%arg0: i32) -> (i32, i32) {
    %c0_i32 = arith.constant 0 : i32
    %c0_i32_0 = arith.constant 0 : i32
    return %arg0, %c0_i32 : i32, i32
  }
}

</mosaic_0001>

<sc_bundles>
// kernel: kernel.6.cloned.1.call-start
scs
__scs_entry_jumppad:
0x0: {  	(pc) =	sbr.rel $0x88, $3  }
0x1: {  	(tag) =	ssettag $0x0;
	lr =	simm.s32 $0x1  }
0x2: {  	[smem:$0x3F9B] =	sst lr;
	_ =	strace $0xD0000000  }
0x3: {  	_ = 	snop  }
0x4: {  	_ = 	snop  }
0x5: {  	_ = 	snop  }
0x6: {  	_ = 	snop  }
0x7: {  	_ = 	snop  }
__scs_overlays_trampoline_lowered:
0x8: {  	[smem:$0x3FAA] =	sst s0  }
0x9: {  	[smem:$0x3FAB] =	sst s1  }
0xa: {  	[smem:$0x3FAC] =	sst s2  }
0xb: {  	[smem:$0x3FAD] =	sst s3  }
0xc: {  	[smem:$0x3FAE] =	sst s4  }
0xd: {  	[smem:$0x3FAF] =	sst s5  }
0xe: {  	[smem:$0x3FB0] =	sst s6  }
0xf: {  	[smem:$0x3FB1] =	sst s7  }
0x10: {  	[smem:$0x3FB2] =	sst s8  }
0x11: {  	[smem:$0x3FB3] =	sst s9;
	s0 =	simm.s32 @!p0 $0x0  }
0x12: {  	s1 =	sld [smem:$0x3F99];
	s0 =	simm.s32 @p0 $0x1  }
0x13: {  	[smem:$0x3FB4] =	sst s0;
	s0 =	simm.s32 @!p1 $0x0  }
0x14: {  	s2 =	sld [smem:$0x3F98];
	s0 =	simm.s32 @p1 $0x1  }
0x15: {  	[smem:$0x3FB5] =	sst s0;
	s0 =	simm.s32 @!p2 $0x0  }
0x16: {  	s3 =	sld [smem:$0x3FDB];
	s0 =	simm.s32 @p2 $0x1  }
0x17: {  	s4 =	simm.s32 $0x1BF5;
	[smem:$0x3FB7] =	sst s0  }
0x18: {  	s0 =	sld [smem:$0x3F9A];
	_ =	swait.ge [sflag:s4], $0x0  }
0x19: {  	s7 =	sld [smem:$0x3F9B]  }
0x1a: {  	s8 =	sadd.s32 $0xFFFFE003, lr  }
0x1b: {  	s9 =	sadd.s32 $0xFFFFFEF7, lr;
	s5 =	simm.s32 $0xFFFFFFFF;
	p2 =	slt.u32 s8, $0xFFFFF086  }
0x1c: {  	p1 =	slt.u32 s9, $0xF7A;
	s5 =	simm.s32 @!p2 $0x0  }
0x1d: {  	s5 =	simm.s32 @p1 $0x1;
	p0 =	seq.s32 s7, s2  }
0x1e: {  	s7 =	smul.u32 @!p0 $0xF7A, s2;
	p2 =	seq.s32 @!p0 s5, $0x0  }
0x1f: {  	s9 =	smul.u32 $0xF7A, s1;
	s8 =	simm.s32 @!p0 $0x1BF5;
	p2 =	por !p2, p0  }
0x20: {  	[sflag:s8] =	ssyncset.s32 @!p0 $0xFFFFF086;
	s6 =	sadd.s32 @!p0 s3, s7;
	s7 =	simm.s32 @!p0 $0x108  }
0x21: {  	s3 =	sadd.s32 s3, s9;
	s6 =	sadd.s32 @!p0 $0x88, s6;
	s7 =	simm.s32 @p2 $0x1082  }
0x22: {  	[simem:s7], [sflag:s8] =	dma.local @!p0 [hbm:s6], $0xF7A  }
0x23: {  	s9 =	sor.u32 $0xD0000000, s2;
	s6 =	simm.s32 $0x108;
	_ =	swait.ge @!p0 [sflag:s8], $0x0  }
0x24: {  	s3 =	sadd.s32 $0x88, s3;
	s6 =	simm.s32 @!p1 $0x1082;
	[sflag:s4] =	ssyncset.s32 $0xFFFFF086  }
0x25: {  	[simem:s6], [sflag:s4] =	dma.local [hbm:s3], $0xF7A  }
0x26: {  	[smem:$0x3F9B] =	sst s1;
	(tag) =	ssettag s2;
	_ =	strace s9  }
0x27: {  	s1 =	sld [smem:$0x3FAB]  }
0x28: {  	s2 =	sld [smem:$0x3FAC]  }
0x29: {  	s4 =	sld [smem:$0x3FAE]  }
0x2a: {  	p0 =	seq.s32 s5, $0x0;
	s5 =	sld [smem:$0x3FAF]  }
0x2b: {  	s6 =	sld [smem:$0x3FB0]  }
0x2c: {  	s7 =	sld [smem:$0x3FB1]  }
0x2d: {  	s3 =	simm.s32 $0x108;
	s8 =	sld [smem:$0x3FB2]  }
0x2e: {  	s3 =	simm.s32 @!p0 $0x1082;
	s9 =	sld [smem:$0x3FB3]  }
0x2f: {  	lr =	sadd.s32 s0, s3;
	s0 =	sld [smem:$0x3FAA]  }
0x30: {  	s3 =	sld [smem:$0x3FAD]  }
0x31: {  	[smem:$0x3FB6] =	sst s10  }
0x32: {  	s10 =	sld [smem:$0x3FB4];
	_ =	sdelay $0x3  }
0x33: {  	p0 =	seq.s32 s10, $0x1;
	s10 =	sld [smem:$0x3FB6];
	_ =	sdelay $0x3  }
0x34: {  	[smem:$0x3FB6] =	sst s10  }
0x35: {  	s10 =	sld [smem:$0x3FB5];
	_ =	sdelay $0x3  }
0x36: {  	p1 =	seq.s32 s10, $0x1;
	s10 =	sld [smem:$0x3FB6];
	_ =	sdelay $0x3  }
0x37: {  	[smem:$0x3FB6] =	sst s10  }
0x38: {  	s10 =	sld [smem:$0x3FB7]  }
0x39: {  	_ = 	snop;
	(pc) =	sbr.ind lr, $3  }
0x3a: {  	_ = 	snop  }
0x3b: {  	_ = 	snop  }
0x3c: {  	p2 =	seq.s32 s10, $0x1;
	s10 =	sld [smem:$0x3FB6]  }
0x3d: {  	_ =	shalt  }
0x3e: {  	_ =	shalt  }
0x3f: {  	_ =	shalt  }
0x40: {  	_ =	shalt  }
0x41: {  	_ =	shalt  }
0x42: {  	_ =	shalt  }
0x43: {  	_ =	shalt  }
0x44: {  	_ =	shalt  }
0x45: {  	_ =	shalt  }
0x46: {  	_ =	shalt  }
0x47: {  	_ =	shalt  }
0x48: {  	_ =	shalt  }
0x49: {  	_ =	shalt  }
0x4a: {  	_ =	shalt  }
0x4b: {  	_ =	shalt  }
0x4c: {  	_ =	shalt  }
0x4d: {  	_ =	shalt  }
0x4e: {  	_ =	shalt  }
0x4f: {  	_ =	shalt  }
0x50: {  	_ =	shalt  }
0x51: {  	_ =	shalt  }
0x52: {  	_ =	shalt  }
0x53: {  	_ =	shalt  }
0x54: {  	_ =	shalt  }
0x55: {  	_ =	shalt  }
0x56: {  	_ =	shalt  }
0x57: {  	_ =	shalt  }
0x58: {  	_ =	shalt  }
0x59: {  	_ =	shalt  }
0x5a: {  	_ =	shalt  }
0x5b: {  	_ =	shalt  }
0x5c: {  	_ =	shalt  }
0x5d: {  	_ =	shalt  }
0x5e: {  	_ =	shalt  }
0x5f: {  	_ =	shalt  }
0x60: {  	_ =	shalt  }
0x61: {  	_ =	shalt  }
0x62: {  	_ =	shalt  }
0x63: {  	_ =	shalt  }
0x64: {  	_ =	shalt  }
0x65: {  	_ =	shalt  }
0x66: {  	_ =	shalt  }
0x67: {  	_ =	shalt  }
0x68: {  	_ =	shalt  }
0x69: {  	_ =	shalt  }
0x6a: {  	_ =	shalt  }
0x6b: {  	_ =	shalt  }
0x6c: {  	_ =	shalt  }
0x6d: {  	_ =	shalt  }
0x6e: {  	_ =	shalt  }
0x6f: {  	_ =	shalt  }
0x70: {  	_ =	shalt  }
0x71: {  	_ =	shalt  }
0x72: {  	_ =	shalt  }
0x73: {  	_ =	shalt  }
0x74: {  	_ =	shalt  }
0x75: {  	_ =	shalt  }
0x76: {  	_ =	shalt  }
0x77: {  	_ =	shalt  }
0x78: {  	_ =	shalt  }
0x79: {  	_ =	shalt  }
0x7a: {  	_ =	shalt  }
0x7b: {  	_ =	shalt  }
0x7c: {  	_ =	shalt  }
0x7d: {  	_ =	shalt  }
0x7e: {  	_ =	shalt  }
0x7f: {  	_ =	shalt  }
0x80: {  	_ =	shalt  }
0x81: {  	_ =	shalt  }
0x82: {  	_ =	shalt  }
0x83: {  	_ =	shalt  }
0x84: {  	_ =	shalt  }
0x85: {  	_ =	shalt  }
0x86: {  	_ =	shalt  }
0x87: {  	_ =	shalt  }
.Lfunc_end0:
.L_simem_size_0:
called_computation_lowered:
.L_overlay_start_0:
0x88: {  	s2 =	sld [smem:$0x3FD9]  }
0x89: {  	s3 =	sld [smem:$0x3FFE];
	_ =	sdelay $0x1  }
0x8a: {  	s1 =	srdreg.scid  }
0x8b: {  	s0 =	sand.u32 $0x1, s1  }
0x8c: {  	s17 =	sshll.u32 s0, $0xA;
	s2 =	sadd.s32 s3, s2  }
0x8d: {  	s2 =	sadd.s32 s2, s17  }
0x8e: {  	[smem:$0x3FC2] =	sst s2  }
0x8f: {  	_ = 	snop  }
0x90: {  	s2 =	sld [smem:$0x3FD0];
	(tm) =	ssettm $0x1  }
0x91: {  	s18 =	sld [smem:$0x3FFB];
	_ =	sdelay $0x3  }
0x92: {  	_ =	strace s18  }
0x93: {  	s3 =	sld [smem:$0x3FFC];
	_ =	sdelay $0x3  }
0x94: {  	_ =	strace s3  }
0x95: {  	s3 =	sld [smem:$0x3FFD];
	_ =	sdelay $0x3  }
0x96: {  	_ =	strace s3  }
0x97: {  	_ =	strace $0x8FFFFFFF  }
0x98: {  	s19 =	sld [smem:$0x3FDB];
	_ =	sdelay $0x1  }
0x99: {  	s4 =	simm.s32 $_scs_section_size  }
0x9a: {  	s5 =	simm.s32 $_size__tile_overlayer_lowered;
	s6 =	simm.s32 $_tile_overlayer_lowered  }
0x9b: {  	s22 =	simm.s32 $0x1BFF;
	s21 =	sshll.u32 s6, $0x1;
	s3 =	sadd.s32 s4, s19  }
0x9c: {  	s7 =	simm.s32 $0x0;
	s20 =	sshll.u32 s5, $0x1;
	s5 =	sadd.s32 s21, s3  }
0x9d: {  	[timem:s7], [sflag:s22] =	dma.local [hbm:s5], s20  }
0x9e: {  	_ =	swait.ge [sflag:s22], s20  }
0x9f: {  	s4 =	ssub.s32 $0x0, s20;
	[sflag:s22] =	ssyncset.done $0x0  }
0xa0: {  	[sflag:s22] =	ssyncadd.s32 s4;
	_ =	sdelay $0x1  }
0xa1: {  	s23 =	simm.s32 $0x1B8B  }
0xa2: {  	_ =	swait.ge [sflag:s23], $0x1  }
0xa3: {  	[sflag:s23] =	ssyncset.done $0x0  }
0xa4: {  	s25 =	simm.s32 $0x1B8E;
	s24 =	sld [smem:$0x3FFE];
	[sflag:s23] =	ssyncadd.s32 $0xFFFFFFFF  }
0xa5: {  	s26 =	simm.s32 $execute0_lowered;
	[smem:$0x3FD2] =	sst s25  }
0xa6: {  	s5 =	sshll.u32 s26, $0x1;
	_ =	strace $0x80000046;
	[dreg:$0x1] =	wrdreg $0xFFFFFFFF  }
0xa7: {  	s28 =	simm.s32 $_size_execute0_lowered;
	s3 =	sadd.s32 s3, s5;
	[dreg:$0x0] =	wrdreg $0x0  }
0xa8: {  	s5 =	sshll.u32 s28, $0x1;
	[dreg:$0x2] =	wrdreg s3  }
0xa9: {  	[dreg:$0x3] =	wrdreg s5  }
0xaa: {  	[dreg:$0x4] =	wrdreg $0xC0  }
0xab: {  	_ =	task [dreg:s7], $0x5FFFF  }
0xac: {  	[dreg:$0x1] =	wrdreg $0xFFFFFFFF  }
0xad: {  	[dreg:$0x0] =	wrdreg $0x60  }
0xae: {  	[dreg:$0x2] =	wrdreg s24  }
0xaf: {  	[dreg:$0x3] =	wrdreg s2  }
0xb0: {  	[dreg:$0x4] =	wrdreg $0x0  }
0xb1: {  	[dreg:$0x5] =	wrdreg $0x9  }
0xb2: {  	_ =	task.clear_ibuf [dreg:s7], $0x6FFFF;
	_ =	strace $0x90000046  }
0xb3: {  	s29 =	simm.s32 $0x9;
	_ =	strace $0x80000048  }
0xb4: {  	_ =	swait.ge [sflag:s29], $0x1  }
0xb5: {  	[sflag:s29] =	ssyncadd.s32 $0xFFFFFFFF  }
0xb6: {  	_ =	strace $0x90000048  }
0xb7: {  	_ =	sfence  }
0xb8: {  	s30 =	sld [smem:$0x0];
	_ =	sdelay $0x2  }
0xb9: {  	s31 =	sshll.u32 s1, $0xD;
	s1 =	sshrl.u32 s1, $0x2  }
0xba: {  	s3 =	sand.u32 $0x4000, s31;
	s1 =	sadd.s32 s1, s30  }
0xbb: {  	s0 =	sor.u32 s3, s0;
	s1 =	sshll.u32 s1, $0x11  }
0xbc: {  	s0 =	sor.u32 s1, s0  }
0xbd: {  	s0 =	sadd.s32 $0x8F2B, s0  }
0xbe: {  	[sflag:s0] =	ssyncadd.remote.s32 $0x1  }
0xbf: {  	_ =	sfence.sel $0xFFFF  }
0xc0: {  	[dreg:$0x0] =	wrdreg $0xFFFFFFFF;
	(pc) =	sbr.abs _section_cstart, $3  }
0xc1: {  	[dreg:$0x1] =	wrdreg $0xFFFFFFFF  }
0xc2: {  	_ =	task.clear_ibuf [dreg:s7], $0x2FFFF;
	_ =	strace $0x9FFFFFFF  }
0xc3: {  	(tm) =	ssettm $0x7FFFFFFF  }
tec
execute0_lowered:
.L_overlay_start_1:
0x0: {  	(tag) =	ssettag $0x1  }
0x1: {  	s4 =	rddreg [dreg:$0x0]  }
0x2: {  	s1 =	srdreg.scid;
	s6 =	rddreg [dreg:$0x1]  }
0x3: {  	s0 =	stileid.u32;
	s2 =	rddreg [dreg:$0x2];
	s3 =	simm.s32 $0x0  }
0x4: {  	s12 =	simm.s32 $0x500;
	s13 =	simm.s32 $0x1;
	s16 =	simm.s32 $0x0  }
0x5: {  	s5 =	sand.u32 $0x1, s1;
	s7 =	smul.u32 $0x280, s0;
	s1 =	rddreg [dreg:$0x3]  }
0x6: {  	[smem:$0x7FF] =	sst s3;
	s10 =	sadd.s32 $0x1800, s4;
	s11 =	smul.u32 $0xA00, s0  }
0x7: {  	s14 =	sshll.u32 s0, $0x6;
	s8 =	smul.u32 $0x2800, s5;
	s9 =	ssub.s32 $0x2, s5  }
0x8: {  	_ =	strace $0x80000047;
	p0 =	seq.s32 s5, $0x1;
	s31 =	sshrl.u32 s9, $0x1  }
0x9: {  	s14 =	sor.u32 $0x1C02, s14;
	s8 =	sadd.s32 s7, s8;
	s9 =	ssub.s32 s9, s31  }
0xa: {  	s10 =	smov.u32 @p0 s6;
	s8 =	sshrl.u32 s8, $0x3;
	s6 =	smax.u32 s9, $0x1  }
0xb: {  	s9 =	simm.s32 $0x2;
	s8 =	sadd.s32 s8, s4;
	s4 =	sadd.s32 s7, s2  }
0xc: {  	s7 =	sadd.s32 s10, s11;
	s10 =	simm.s32 $0x580;
	s11 =	simm.s32 $0x80  }
0xd: {  	v0 =	vimm.f32 $0.0e+00;
	v1 =	vimm.f32 $1.000000000e+00;
	s5 =	sadd.s32 $0xB800, s8;
	s8 =	simm.s32 $0x280;
	s15 =	sshrl.u32 s4, $0x3  }
.LBB2_1:
0xe: {  	[tilespmem:$0x280] =	vst v0  }
0xf: {  	[tilespmem:$0x290] =	vst v0  }
0x10: {  	[tilespmem:$0x2A0] =	vst v0  }
0x11: {  	[tilespmem:$0x2B0] =	vst v0  }
0x12: {  	[tilespmem:$0x2C0] =	vst v0  }
0x13: {  	[tilespmem:$0x2D0] =	vst v0  }
0x14: {  	[tilespmem:$0x2E0] =	vst v0  }
0x15: {  	[tilespmem:$0x2F0] =	vst v0  }
0x16: {  	[tilespmem:$0x300] =	vst v0  }
0x17: {  	[tilespmem:$0x310] =	vst v0  }
0x18: {  	[tilespmem:$0x320] =	vst v0  }
0x19: {  	[tilespmem:$0x330] =	vst v0  }
0x1a: {  	[tilespmem:$0x340] =	vst v0  }
0x1b: {  	[tilespmem:$0x350] =	vst v0  }
0x1c: {  	[tilespmem:$0x360] =	vst v0  }
0x1d: {  	[tilespmem:$0x370] =	vst v0  }
0x1e: {  	[tilespmem:$0x380] =	vst v0  }
0x1f: {  	[tilespmem:$0x390] =	vst v0  }
0x20: {  	[tilespmem:$0x3A0] =	vst v0  }
0x21: {  	[tilespmem:$0x3B0] =	vst v0  }
0x22: {  	[tilespmem:$0x3C0] =	vst v0  }
0x23: {  	[tilespmem:$0x3D0] =	vst v0  }
0x24: {  	[tilespmem:$0x3E0] =	vst v0  }
0x25: {  	[tilespmem:$0x3F0] =	vst v0  }
0x26: {  	[tilespmem:$0x400] =	vst v0  }
0x27: {  	[tilespmem:$0x410] =	vst v0  }
0x28: {  	[tilespmem:$0x420] =	vst v0  }
0x29: {  	[tilespmem:$0x430] =	vst v0  }
0x2a: {  	[tilespmem:$0x440] =	vst v0  }
0x2b: {  	[tilespmem:$0x450] =	vst v0  }
0x2c: {  	[tilespmem:$0x460] =	vst v0  }
0x2d: {  	[tilespmem:$0x470] =	vst v0  }
0x2e: {  	[tilespmem:$0x480] =	vst v0  }
0x2f: {  	[tilespmem:$0x490] =	vst v0  }
0x30: {  	[tilespmem:$0x4A0] =	vst v0  }
0x31: {  	[tilespmem:$0x4B0] =	vst v0  }
0x32: {  	[tilespmem:$0x4C0] =	vst v0  }
0x33: {  	[tilespmem:$0x4D0] =	vst v0  }
0x34: {  	[tilespmem:$0x4E0] =	vst v0  }
0x35: {  	[tilespmem:$0x4F0] =	vst v0  }
0x36: {  	[spmem:s4] =	stream.linear.scatter [tilespmem:s8], [sflag:$0x2], $0x280, $0x38;
	[tilespmem:$0x5580] =	vst v63  }
0x37: {  	_ =	swait.ge [sflag:s9], $0x280  }
0x38: {  	[sflag:s9] =	ssyncset.done $0x0  }
0x39: {  	[sflag:s9] =	ssyncadd.s32 $0xFFFFFD80  }
0x3a: {  	[tilespmem:$0x500] =	vst v1  }
0x3b: {  	[tilespmem:$0x510] =	vst v1  }
0x3c: {  	[tilespmem:$0x520] =	vst v1  }
0x3d: {  	[tilespmem:$0x530] =	vst v1  }
0x3e: {  	[tilespmem:$0x540] =	vst v1  }
0x3f: {  	[tilespmem:$0x550] =	vst v1  }
0x40: {  	[tilespmem:$0x560] =	vst v1  }
0x41: {  	[tilespmem:$0x570] =	vst v1  }
0x42: {  	[tilespmem:s10], [sflag:$0x2] =	stream.linear.gather [hbm4b:s7+s3], $0x5000, $0x38;
	[tilespmem:$0x5580] =	vst v63  }
0x43: {  	_ =	swait.ge [sflag:s9], $0x5000  }
0x44: {  	[sflag:s9] =	ssyncset.done $0x0  }
0x45: {  	[sflag:s9] =	ssyncadd.s32 $0xFFFFB000  }
0x46: {  	s17 =	simm.s32 $0x580;
	[bflag:$0x0] =	sbarrier.arrive $0xFFFF  }
0x47: {  	[spmem:s2] =	stream.indirect.scatter.add.f32 [tilespmem:s12], [sflag:$0x1], $0x1, s17, s11, $0xb8;
	[tilespmem:$0x5580] =	vst v63  }
0x48: {  	s30 =	simm.s32 $0x600  }
0x49: {  	[spmem:s2] =	stream.indirect.scatter.add.f32 [tilespmem:s12], [sflag:$0x1], $0x1, s30, s11, $0xb8;
	[tilespmem:$0x5580] =	vst v63  }
0x4a: {  	s31 =	simm.s32 $0x680  }
0x4b: {  	[spmem:s2] =	stream.indirect.scatter.add.f32 [tilespmem:s12], [sflag:$0x1], $0x1, s31, s11, $0xb8;
	[tilespmem:$0x5580] =	vst v63  }
0x4c: {  	s18 =	simm.s32 $0x700  }
0x4d: {  	[spmem:s2] =	stream.indirect.scatter.add.f32 [tilespmem:s12], [sflag:$0x1], $0x1, s18, s11, $0xb8;
	[tilespmem:$0x5580] =	vst v63  }
0x4e: {  	s19 =	simm.s32 $0x780  }
0x4f: {  	[spmem:s2] =	stream.indirect.scatter.add.f32 [tilespmem:s12], [sflag:$0x1], $0x1, s19, s11, $0xb8;
	[tilespmem:$0x5580] =	vst v63  }
0x50: {  	s20 =	simm.s32 $0x800  }
0x51: {  	[spmem:s2] =	stream.indirect.scatter.add.f32 [tilespmem:s12], [sflag:$0x1], $0x1, s20, s11, $0xb8;
	[tilespmem:$0x5580] =	vst v63  }
0x52: {  	s21 =	simm.s32 $0x880  }
0x53: {  	[spmem:s2] =	stream.indirect.scatter.add.f32 [tilespmem:s12], [sflag:$0x1], $0x1, s21, s11, $0xb8;
	[tilespmem:$0x5580] =	vst v63  }
0x54: {  	s22 =	simm.s32 $0x900  }
0x55: {  	[spmem:s2] =	stream.indirect.scatter.add.f32 [tilespmem:s12], [sflag:$0x1], $0x1, s22, s11, $0xb8;
	[tilespmem:$0x5580] =	vst v63  }
0x56: {  	s23 =	simm.s32 $0x980  }
0x57: {  	[spmem:s2] =	stream.indirect.scatter.add.f32 [tilespmem:s12], [sflag:$0x1], $0x1, s23, s11, $0xb8;
	[tilespmem:$0x5580] =	vst v63  }
0x58: {  	s24 =	simm.s32 $0xA00  }
0x59: {  	[spmem:s2] =	stream.indirect.scatter.add.f32 [tilespmem:s12], [sflag:$0x1], $0x1, s24, s11, $0xb8;
	[tilespmem:$0x5580] =	vst v63  }
0x5a: {  	s25 =	simm.s32 $0xA80  }
0x5b: {  	[spmem:s2] =	stream.indirect.scatter.add.f32 [tilespmem:s12], [sflag:$0x1], $0x1, s25, s11, $0xb8;
	[tilespmem:$0x5580] =	vst v63  }
0x5c: {  	s26 =	simm.s32 $0xB00  }
0x5d: {  	[spmem:s2] =	stream.indirect.scatter.add.f32 [tilespmem:s12], [sflag:$0x1], $0x1, s26, s11, $0xb8;
	[tilespmem:$0x5580] =	vst v63  }
0x5e: {  	s28 =	simm.s32 $0xB80  }
0x5f: {  	[spmem:s2] =	stream.indirect.scatter.add.f32 [tilespmem:s12], [sflag:$0x1], $0x1, s28, s11, $0xb8;
	[tilespmem:$0x5580] =	vst v63  }
0x60: {  	s29 =	simm.s32 $0xC00  }
0x61: {  	[spmem:s2] =	stream.indirect.scatter.add.f32 [tilespmem:s12], [sflag:$0x1], $0x1, s29, s11, $0xb8;
	[tilespmem:$0x5580] =	vst v63  }
0x62: {  	s30 =	simm.s32 $0xC80  }
0x63: {  	[spmem:s2] =	stream.indirect.scatter.add.f32 [tilespmem:s12], [sflag:$0x1], $0x1, s30, s11, $0xb8;
	[tilespmem:$0x5580] =	vst v63  }
0x64: {  	s31 =	simm.s32 $0xD00  }
0x65: {  	[spmem:s2] =	stream.indirect.scatter.add.f32 [tilespmem:s12], [sflag:$0x1], $0x1, s31, s11, $0xb8;
	[tilespmem:$0x5580] =	vst v63  }
0x66: {  	_ =	swait.ge [sflag:s13], $0x80  }
0x67: {  	[sflag:s13] =	ssyncset.done $0x0  }
0x68: {  	[sflag:s13] =	ssyncadd.s32 $0xFFFFFF80  }
0x69: {  	_ =	swait.ge [sflag:s13], $0x80  }
0x6a: {  	[sflag:s13] =	ssyncset.done $0x0  }
0x6b: {  	[sflag:s13] =	ssyncadd.s32 $0xFFFFFF80  }
0x6c: {  	_ =	swait.ge [sflag:s13], $0x80  }
0x6d: {  	[sflag:s13] =	ssyncset.done $0x0  }
0x6e: {  	[sflag:s13] =	ssyncadd.s32 $0xFFFFFF80  }
0x6f: {  	_ =	swait.ge [sflag:s13], $0x80  }
0x70: {  	[sflag:s13] =	ssyncset.done $0x0  }
0x71: {  	[sflag:s13] =	ssyncadd.s32 $0xFFFFFF80  }
0x72: {  	_ =	swait.ge [sflag:s13], $0x80  }
0x73: {  	[sflag:s13] =	ssyncset.done $0x0  }
0x74: {  	[sflag:s13] =	ssyncadd.s32 $0xFFFFFF80  }
0x75: {  	_ =	swait.ge [sflag:s13], $0x80  }
0x76: {  	[sflag:s13] =	ssyncset.done $0x0  }
0x77: {  	[sflag:s13] =	ssyncadd.s32 $0xFFFFFF80  }
0x78: {  	_ =	swait.ge [sflag:s13], $0x80  }
0x79: {  	[sflag:s13] =	ssyncset.done $0x0  }
0x7a: {  	[sflag:s13] =	ssyncadd.s32 $0xFFFFFF80  }
0x7b: {  	_ =	swait.ge [sflag:s13], $0x80  }
0x7c: {  	[sflag:s13] =	ssyncset.done $0x0  }
0x7d: {  	[sflag:s13] =	ssyncadd.s32 $0xFFFFFF80  }
0x7e: {  	_ =	swait.ge [sflag:s13], $0x80  }
0x7f: {  	[sflag:s13] =	ssyncset.done $0x0  }
0x80: {  	[sflag:s13] =	ssyncadd.s32 $0xFFFFFF80  }
0x81: {  	_ =	swait.ge [sflag:s13], $0x80  }
0x82: {  	[sflag:s13] =	ssyncset.done $0x0  }
0x83: {  	[sflag:s13] =	ssyncadd.s32 $0xFFFFFF80  }
0x84: {  	_ =	swait.ge [sflag:s13], $0x80  }
0x85: {  	[sflag:s13] =	ssyncset.done $0x0  }
0x86: {  	[sflag:s13] =	ssyncadd.s32 $0xFFFFFF80  }
0x87: {  	_ =	swait.ge [sflag:s13], $0x80  }
0x88: {  	[sflag:s13] =	ssyncset.done $0x0  }
0x89: {  	[sflag:s13] =	ssyncadd.s32 $0xFFFFFF80  }
0x8a: {  	_ =	swait.ge [sflag:s13], $0x80  }
0x8b: {  	[sflag:s13] =	ssyncset.done $0x0  }
0x8c: {  	[sflag:s13] =	ssyncadd.s32 $0xFFFFFF80  }
0x8d: {  	_ =	swait.ge [sflag:s13], $0x80  }
0x8e: {  	[sflag:s13] =	ssyncset.done $0x0  }
0x8f: {  	[sflag:s13] =	ssyncadd.s32 $0xFFFFFF80  }
0x90: {  	_ =	swait.ge [sflag:s13], $0x80  }
0x91: {  	[sflag:s13] =	ssyncset.done $0x0  }
0x92: {  	[sflag:s13] =	ssyncadd.s32 $0xFFFFFF80  }
0x93: {  	_ =	swait.ge [sflag:s13], $0x80  }
0x94: {  	s19 =	simm.s32 $0x800;
	s20 =	simm.s32 $0x4000;
	[sflag:s13] =	ssyncset.done $0x0  }
.LBB2_2:
0x95: {  	s21 =	sadd.s32 $0x580, s19  }
0x96: {  	[sflag:s13] =	ssyncadd.s32 $0xFFFFFF80;
	s18 =	smov.u32 s20;
	s17 =	sadd.s32 $0x2000, s20  }
0x97: {  	[spmem:s2] =	stream.indirect.scatter.add.f32 [tilespmem:s12], [sflag:$0x1], $0x1, s21, s11, $0xb8;
	[tilespmem:$0x5580] =	vst v63  }
0x98: {  	p0 =	sne.s32 s20, $0x12000;
	s20 =	sadd.s32 $0x600, s19  }
0x99: {  	[spmem:s2] =	stream.indirect.scatter.add.f32 [tilespmem:s12], [sflag:$0x1], $0x1, s20, s11, $0xb8;
	[tilespmem:$0x5580] =	vst v63  }
0x9a: {  	s20 =	sadd.s32 $0x680, s19  }
0x9b: {  	[spmem:s2] =	stream.indirect.scatter.add.f32 [tilespmem:s12], [sflag:$0x1], $0x1, s20, s11, $0xb8;
	[tilespmem:$0x5580] =	vst v63  }
0x9c: {  	s20 =	sadd.s32 $0x700, s19  }
0x9d: {  	[spmem:s2] =	stream.indirect.scatter.add.f32 [tilespmem:s12], [sflag:$0x1], $0x1, s20, s11, $0xb8;
	[tilespmem:$0x5580] =	vst v63  }
0x9e: {  	s20 =	sadd.s32 $0x780, s19  }
0x9f: {  	[spmem:s2] =	stream.indirect.scatter.add.f32 [tilespmem:s12], [sflag:$0x1], $0x1, s20, s11, $0xb8;
	[tilespmem:$0x5580] =	vst v63  }
0xa0: {  	s20 =	sadd.s32 $0x800, s19  }
0xa1: {  	[spmem:s2] =	stream.indirect.scatter.add.f32 [tilespmem:s12], [sflag:$0x1], $0x1, s20, s11, $0xb8;
	[tilespmem:$0x5580] =	vst v63  }
0xa2: {  	s20 =	sadd.s32 $0x880, s19  }
0xa3: {  	[spmem:s2] =	stream.indirect.scatter.add.f32 [tilespmem:s12], [sflag:$0x1], $0x1, s20, s11, $0xb8;
	[tilespmem:$0x5580] =	vst v63  }
0xa4: {  	s20 =	sadd.s32 $0x900, s19  }
0xa5: {  	[spmem:s2] =	stream.indirect.scatter.add.f32 [tilespmem:s12], [sflag:$0x1], $0x1, s20, s11, $0xb8;
	[tilespmem:$0x5580] =	vst v63  }
0xa6: {  	s20 =	sadd.s32 $0x980, s19  }
0xa7: {  	[spmem:s2] =	stream.indirect.scatter.add.f32 [tilespmem:s12], [sflag:$0x1], $0x1, s20, s11, $0xb8;
	[tilespmem:$0x5580] =	vst v63  }
0xa8: {  	s20 =	sadd.s32 $0xA00, s19  }
0xa9: {  	[spmem:s2] =	stream.indirect.scatter.add.f32 [tilespmem:s12], [sflag:$0x1], $0x1, s20, s11, $0xb8;
	[tilespmem:$0x5580] =	vst v63  }
0xaa: {  	s20 =	sadd.s32 $0xA80, s19  }
0xab: {  	[spmem:s2] =	stream.indirect.scatter.add.f32 [tilespmem:s12], [sflag:$0x1], $0x1, s20, s11, $0xb8;
	[tilespmem:$0x5580] =	vst v63  }
0xac: {  	s20 =	sadd.s32 $0xB00, s19  }
0xad: {  	[spmem:s2] =	stream.indirect.scatter.add.f32 [tilespmem:s12], [sflag:$0x1], $0x1, s20, s11, $0xb8;
	[tilespmem:$0x5580] =	vst v63  }
0xae: {  	s20 =	sadd.s32 $0xB80, s19  }
0xaf: {  	[spmem:s2] =	stream.indirect.scatter.add.f32 [tilespmem:s12], [sflag:$0x1], $0x1, s20, s11, $0xb8;
	[tilespmem:$0x5580] =	vst v63  }
0xb0: {  	s20 =	sadd.s32 $0xC00, s19  }
0xb1: {  	[spmem:s2] =	stream.indirect.scatter.add.f32 [tilespmem:s12], [sflag:$0x1], $0x1, s20, s11, $0xb8;
	[tilespmem:$0x5580] =	vst v63  }
0xb2: {  	s20 =	sadd.s32 $0xC80, s19  }
0xb3: {  	[spmem:s2] =	stream.indirect.scatter.add.f32 [tilespmem:s12], [sflag:$0x1], $0x1, s20, s11, $0xb8;
	[tilespmem:$0x5580] =	vst v63  }
0xb4: {  	s19 =	sadd.s32 $0xD00, s19  }
0xb5: {  	[spmem:s2] =	stream.indirect.scatter.add.f32 [tilespmem:s12], [sflag:$0x1], $0x1, s19, s11, $0xb8;
	[tilespmem:$0x5580] =	vst v63  }
0xb6: {  	_ =	swait.ge [sflag:s13], $0x80  }
0xb7: {  	[sflag:s13] =	ssyncset.done $0x0  }
0xb8: {  	[sflag:s13] =	ssyncadd.s32 $0xFFFFFF80  }
0xb9: {  	_ =	swait.ge [sflag:s13], $0x80  }
0xba: {  	[sflag:s13] =	ssyncset.done $0x0  }
0xbb: {  	[sflag:s13] =	ssyncadd.s32 $0xFFFFFF80  }
0xbc: {  	_ =	swait.ge [sflag:s13], $0x80  }
0xbd: {  	[sflag:s13] =	ssyncset.done $0x0  }
0xbe: {  	[sflag:s13] =	ssyncadd.s32 $0xFFFFFF80  }
0xbf: {  	_ =	swait.ge [sflag:s13], $0x80  }
0xc0: {  	[sflag:s13] =	ssyncset.done $0x0  }
0xc1: {  	[sflag:s13] =	ssyncadd.s32 $0xFFFFFF80  }
0xc2: {  	_ =	swait.ge [sflag:s13], $0x80  }
0xc3: {  	[sflag:s13] =	ssyncset.done $0x0  }
0xc4: {  	[sflag:s13] =	ssyncadd.s32 $0xFFFFFF80  }
0xc5: {  	_ =	swait.ge [sflag:s13], $0x80  }
0xc6: {  	[sflag:s13] =	ssyncset.done $0x0  }
0xc7: {  	[sflag:s13] =	ssyncadd.s32 $0xFFFFFF80  }
0xc8: {  	_ =	swait.ge [sflag:s13], $0x80  }
0xc9: {  	[sflag:s13] =	ssyncset.done $0x0  }
0xca: {  	[sflag:s13] =	ssyncadd.s32 $0xFFFFFF80  }
0xcb: {  	_ =	swait.ge [sflag:s13], $0x80  }
0xcc: {  	[sflag:s13] =	ssyncset.done $0x0  }
0xcd: {  	[sflag:s13] =	ssyncadd.s32 $0xFFFFFF80  }
0xce: {  	_ =	swait.ge [sflag:s13], $0x80  }
0xcf: {  	[sflag:s13] =	ssyncset.done $0x0  }
0xd0: {  	[sflag:s13] =	ssyncadd.s32 $0xFFFFFF80  }
0xd1: {  	_ =	swait.ge [sflag:s13], $0x80  }
0xd2: {  	[sflag:s13] =	ssyncset.done $0x0  }
0xd3: {  	[sflag:s13] =	ssyncadd.s32 $0xFFFFFF80  }
0xd4: {  	_ =	swait.ge [sflag:s13], $0x80  }
0xd5: {  	[sflag:s13] =	ssyncset.done $0x0  }
0xd6: {  	[sflag:s13] =	ssyncadd.s32 $0xFFFFFF80  }
0xd7: {  	_ =	swait.ge [sflag:s13], $0x80  }
0xd8: {  	[sflag:s13] =	ssyncset.done $0x0  }
0xd9: {  	[sflag:s13] =	ssyncadd.s32 $0xFFFFFF80  }
0xda: {  	_ =	swait.ge [sflag:s13], $0x80  }
0xdb: {  	[sflag:s13] =	ssyncset.done $0x0  }
0xdc: {  	[sflag:s13] =	ssyncadd.s32 $0xFFFFFF80  }
0xdd: {  	_ =	swait.ge [sflag:s13], $0x80  }
0xde: {  	[sflag:s13] =	ssyncset.done $0x0  }
0xdf: {  	[sflag:s13] =	ssyncadd.s32 $0xFFFFFF80  }
.Ltmp0:
0xe0: {  	_ =	swait.ge [sflag:s13], $0x80;
	(pc) =	sbr.rel @p0 .LBB2_2-.Ltmp0, $4  }
0xe1: {  	[sflag:s13] =	ssyncset.done $0x0  }
0xe2: {  	[sflag:s13] =	ssyncadd.s32 $0xFFFFFF80  }
0xe3: {  	_ =	swait.ge [sflag:s13], $0x80  }
0xe4: {  	s20 =	smov.u32 s17;
	s19 =	sshra.s32 s18, $0x2;
	[sflag:s13] =	ssyncset.done $0x0  }
0xe5: {  	s17 =	sadd.s32 $0x580, s19;
	[sflag:s13] =	ssyncadd.s32 $0xFFFFFF80  }
0xe6: {  	[spmem:s2] =	stream.indirect.scatter.add.f32 [tilespmem:s12], [sflag:$0x1], $0x1, s17, s11, $0xb8;
	[tilespmem:$0x5580] =	vst v63  }
0xe7: {  	s29 =	sadd.s32 $0x600, s19  }
0xe8: {  	[spmem:s2] =	stream.indirect.scatter.add.f32 [tilespmem:s12], [sflag:$0x1], $0x1, s29, s11, $0xb8;
	[tilespmem:$0x5580] =	vst v63  }
0xe9: {  	s30 =	sadd.s32 $0x680, s19  }
0xea: {  	[spmem:s2] =	stream.indirect.scatter.add.f32 [tilespmem:s12], [sflag:$0x1], $0x1, s30, s11, $0xb8;
	[tilespmem:$0x5580] =	vst v63  }
0xeb: {  	s31 =	sadd.s32 $0x700, s19  }
0xec: {  	[spmem:s2] =	stream.indirect.scatter.add.f32 [tilespmem:s12], [sflag:$0x1], $0x1, s31, s11, $0xb8;
	[tilespmem:$0x5580] =	vst v63  }
0xed: {  	s18 =	sadd.s32 $0x780, s19  }
0xee: {  	[spmem:s2] =	stream.indirect.scatter.add.f32 [tilespmem:s12], [sflag:$0x1], $0x1, s18, s11, $0xb8;
	[tilespmem:$0x5580] =	vst v63  }
0xef: {  	s20 =	sadd.s32 $0x800, s19  }
0xf0: {  	[spmem:s2] =	stream.indirect.scatter.add.f32 [tilespmem:s12], [sflag:$0x1], $0x1, s20, s11, $0xb8;
	[tilespmem:$0x5580] =	vst v63  }
0xf1: {  	s21 =	sadd.s32 $0x880, s19  }
0xf2: {  	[spmem:s2] =	stream.indirect.scatter.add.f32 [tilespmem:s12], [sflag:$0x1], $0x1, s21, s11, $0xb8;
	[tilespmem:$0x5580] =	vst v63  }
0xf3: {  	s22 =	sadd.s32 $0x900, s19  }
0xf4: {  	[spmem:s2] =	stream.indirect.scatter.add.f32 [tilespmem:s12], [sflag:$0x1], $0x1, s22, s11, $0xb8;
	[tilespmem:$0x5580] =	vst v63  }
0xf5: {  	s23 =	sadd.s32 $0x980, s19  }
0xf6: {  	[spmem:s2] =	stream.indirect.scatter.add.f32 [tilespmem:s12], [sflag:$0x1], $0x1, s23, s11, $0xb8;
	[tilespmem:$0x5580] =	vst v63  }
0xf7: {  	s24 =	sadd.s32 $0xA00, s19  }
0xf8: {  	[spmem:s2] =	stream.indirect.scatter.add.f32 [tilespmem:s12], [sflag:$0x1], $0x1, s24, s11, $0xb8;
	[tilespmem:$0x5580] =	vst v63  }
0xf9: {  	s25 =	sadd.s32 $0xA80, s19  }
0xfa: {  	[spmem:s2] =	stream.indirect.scatter.add.f32 [tilespmem:s12], [sflag:$0x1], $0x1, s25, s11, $0xb8;
	[tilespmem:$0x5580] =	vst v63  }
0xfb: {  	s26 =	sadd.s32 $0xB00, s19  }
0xfc: {  	[spmem:s2] =	stream.indirect.scatter.add.f32 [tilespmem:s12], [sflag:$0x1], $0x1, s26, s11, $0xb8;
	[tilespmem:$0x5580] =	vst v63  }
0xfd: {  	s28 =	sadd.s32 $0xB80, s19  }
0xfe: {  	[spmem:s2] =	stream.indirect.scatter.add.f32 [tilespmem:s12], [sflag:$0x1], $0x1, s28, s11, $0xb8;
	[tilespmem:$0x5580] =	vst v63  }
0xff: {  	s29 =	sadd.s32 $0xC00, s19  }
0x100: {  	[spmem:s2] =	stream.indirect.scatter.add.f32 [tilespmem:s12], [sflag:$0x1], $0x1, s29, s11, $0xb8;
	[tilespmem:$0x5580] =	vst v63  }
0x101: {  	s30 =	sadd.s32 $0xC80, s19  }
0x102: {  	[spmem:s2] =	stream.indirect.scatter.add.f32 [tilespmem:s12], [sflag:$0x1], $0x1, s30, s11, $0xb8;
	[tilespmem:$0x5580] =	vst v63  }
0x103: {  	s31 =	sadd.s32 $0xD00, s19  }
0x104: {  	[spmem:s2] =	stream.indirect.scatter.add.f32 [tilespmem:s12], [sflag:$0x1], $0x1, s31, s11, $0xb8;
	[tilespmem:$0x5580] =	vst v63  }
0x105: {  	_ =	swait.ge [sflag:s13], $0x80  }
0x106: {  	[sflag:s13] =	ssyncset.done $0x0  }
0x107: {  	[sflag:s13] =	ssyncadd.s32 $0xFFFFFF80  }
0x108: {  	_ =	swait.ge [sflag:s13], $0x80  }
0x109: {  	[sflag:s13] =	ssyncset.done $0x0  }
0x10a: {  	[sflag:s13] =	ssyncadd.s32 $0xFFFFFF80  }
0x10b: {  	_ =	swait.ge [sflag:s13], $0x80  }
0x10c: {  	[sflag:s13] =	ssyncset.done $0x0  }
0x10d: {  	[sflag:s13] =	ssyncadd.s32 $0xFFFFFF80  }
0x10e: {  	_ =	swait.ge [sflag:s13], $0x80  }
0x10f: {  	[sflag:s13] =	ssyncset.done $0x0  }
0x110: {  	[sflag:s13] =	ssyncadd.s32 $0xFFFFFF80  }
0x111: {  	_ =	swait.ge [sflag:s13], $0x80  }
0x112: {  	[sflag:s13] =	ssyncset.done $0x0  }
0x113: {  	[sflag:s13] =	ssyncadd.s32 $0xFFFFFF80  }
0x114: {  	_ =	swait.ge [sflag:s13], $0x80  }
0x115: {  	[sflag:s13] =	ssyncset.done $0x0  }
0x116: {  	[sflag:s13] =	ssyncadd.s32 $0xFFFFFF80  }
0x117: {  	_ =	swait.ge [sflag:s13], $0x80  }
0x118: {  	[sflag:s13] =	ssyncset.done $0x0  }
0x119: {  	[sflag:s13] =	ssyncadd.s32 $0xFFFFFF80  }
0x11a: {  	_ =	swait.ge [sflag:s13], $0x80  }
0x11b: {  	[sflag:s13] =	ssyncset.done $0x0  }
0x11c: {  	[sflag:s13] =	ssyncadd.s32 $0xFFFFFF80  }
0x11d: {  	_ =	swait.ge [sflag:s13], $0x80  }
0x11e: {  	[sflag:s13] =	ssyncset.done $0x0  }
0x11f: {  	[sflag:s13] =	ssyncadd.s32 $0xFFFFFF80  }
0x120: {  	_ =	swait.ge [sflag:s13], $0x80  }
0x121: {  	[sflag:s13] =	ssyncset.done $0x0  }
0x122: {  	[sflag:s13] =	ssyncadd.s32 $0xFFFFFF80  }
0x123: {  	_ =	swait.ge [sflag:s13], $0x80  }
0x124: {  	[sflag:s13] =	ssyncset.done $0x0  }
0x125: {  	[sflag:s13] =	ssyncadd.s32 $0xFFFFFF80  }
0x126: {  	_ =	swait.ge [sflag:s13], $0x80  }
0x127: {  	[sflag:s13] =	ssyncset.done $0x0  }
0x128: {  	[sflag:s13] =	ssyncadd.s32 $0xFFFFFF80  }
0x129: {  	_ =	swait.ge [sflag:s13], $0x80  }
0x12a: {  	[sflag:s13] =	ssyncset.done $0x0  }
0x12b: {  	[sflag:s13] =	ssyncadd.s32 $0xFFFFFF80  }
0x12c: {  	_ =	swait.ge [sflag:s13], $0x80  }
0x12d: {  	[sflag:s13] =	ssyncset.done $0x0  }
0x12e: {  	[sflag:s13] =	ssyncadd.s32 $0xFFFFFF80  }
0x12f: {  	_ =	swait.ge [sflag:s13], $0x80  }
0x130: {  	[sflag:s13] =	ssyncset.done $0x0  }
0x131: {  	[sflag:s13] =	ssyncadd.s32 $0xFFFFFF80  }
0x132: {  	_ =	swait.ge [sflag:s13], $0x80  }
0x133: {  	s16 =	sadd.s32 $0x1, s16;
	[sflag:s13] =	ssyncset.done $0x0  }
0x134: {  	p0 =	sne.s32 s16, s6;
	[sflag:s13] =	ssyncadd.s32 $0xFFFFFF80  }
.Ltmp1:
0x135: {  	[bflag:$0x0] =	sbarrier.arrive $0xFFFF;
	(pc) =	sbr.rel @p0 .LBB2_1-.Ltmp1, $4  }
0x136: {  	[hbm:s5], [sflag:s14] =	dma.local [spmem:s15], $0x50  }
0x137: {  	_ =	swait.ge [sflag:s9], $0x50  }
0x138: {  	[sflag:s9] =	ssyncset.done $0x0  }
0x139: {  	[sflag:s9] =	ssyncadd.s32 $0xFFFFFFB0  }
0x13a: {  	_ =	sfence.sel $0x180000  }
0x13b: {  	[bflag:$0x0] =	sbarrier.arrive $0xFFFF  }
0x13c: {  	p0 =	sne.s32 s0, $0x0;
	_ =	strace $0x90000047  }
0x13d: {  	s0 =	sadd.s32 @!p0 $0x100000, s1;
	[bflag:$0x2] =	sbarrier.arrive $0xFFFF  }
0x13e: {  	[sflag:s0] =	ssyncadd.tile.s32 @!p0 $0x1;
	_ =	shalt  }
.Lfunc_end2:
_tile_overlayer_lowered:
.L_overlay_start_2:
0x13f: {  	(tag) =	ssettag $0x2  }
0x140: {  	s0 =	rddreg [dreg:$0x0];
	s2 =	stileid.u32  }
0x141: {  	s1 =	rddreg [dreg:$0x1];
	p0 =	sne.s32 s2, $0x0  }
0x142: {  	s3 =	rddreg [dreg:$0x2];
	[bflag:$0x3] =	sbarrier.arrive $0xFFFF;
	s2 =	simm.s32 @!p0 $0x1C02  }
0x143: {  	[timem:s3], [sflag:s2] =	dma.local @!p0 [hbm:s0], s1  }
0x144: {  	s0 =	simm.s32 @!p0 $0x2  }
0x145: {  	_ =	swait.ge @!p0 [sflag:s0], s1  }
0x146: {  	s1 =	ssub.s32 @!p0 $0x0, s1;
	[sflag:s0] =	ssyncset.done @!p0 $0x0  }
0x147: {  	[sflag:s0] =	ssyncadd.s32 @!p0 s1  }
0x148: {  	[bflag:$0x3] =	sbarrier.arrive $0xFFFF  }
0x149: {  	_ =	shalt  }

// kernel: kernel.9.cloned.1.call-start
scs
__scs_entry_jumppad:
0x0: {  	(pc) =	sbr.rel $0x88, $3  }
0x1: {  	(tag) =	ssettag $0x0;
	lr =	simm.s32 $0x1  }
0x2: {  	[smem:$0x3F9B] =	sst lr;
	_ =	strace $0xD0000000  }
0x3: {  	_ = 	snop  }
0x4: {  	_ = 	snop  }
0x5: {  	_ = 	snop  }
0x6: {  	_ = 	snop  }
0x7: {  	_ = 	snop  }
__scs_overlays_trampoline_lowered:
0x8: {  	[smem:$0x3FAA] =	sst s0  }
0x9: {  	[smem:$0x3FAB] =	sst s1  }
0xa: {  	[smem:$0x3FAC] =	sst s2  }
0xb: {  	[smem:$0x3FAD] =	sst s3  }
0xc: {  	[smem:$0x3FAE] =	sst s4  }
0xd: {  	[smem:$0x3FAF] =	sst s5  }
0xe: {  	[smem:$0x3FB0] =	sst s6  }
0xf: {  	[smem:$0x3FB1] =	sst s7  }
0x10: {  	[smem:$0x3FB2] =	sst s8  }
0x11: {  	[smem:$0x3FB3] =	sst s9;
	s0 =	simm.s32 @!p0 $0x0  }
0x12: {  	s1 =	sld [smem:$0x3F99];
	s0 =	simm.s32 @p0 $0x1  }
0x13: {  	[smem:$0x3FB4] =	sst s0;
	s0 =	simm.s32 @!p1 $0x0  }
0x14: {  	s2 =	sld [smem:$0x3F98];
	s0 =	simm.s32 @p1 $0x1  }
0x15: {  	[smem:$0x3FB5] =	sst s0;
	s0 =	simm.s32 @!p2 $0x0  }
0x16: {  	s3 =	sld [smem:$0x3FDB];
	s0 =	simm.s32 @p2 $0x1  }
0x17: {  	s4 =	simm.s32 $0x1BF5;
	[smem:$0x3FB7] =	sst s0  }
0x18: {  	s0 =	sld [smem:$0x3F9A];
	_ =	swait.ge [sflag:s4], $0x0  }
0x19: {  	s7 =	sld [smem:$0x3F9B]  }
0x1a: {  	s8 =	sadd.s32 $0xFFFFE003, lr  }
0x1b: {  	s9 =	sadd.s32 $0xFFFFFEF7, lr;
	s5 =	simm.s32 $0xFFFFFFFF;
	p2 =	slt.u32 s8, $0xFFFFF086  }
0x1c: {  	p1 =	slt.u32 s9, $0xF7A;
	s5 =	simm.s32 @!p2 $0x0  }
0x1d: {  	s5 =	simm.s32 @p1 $0x1;
	p0 =	seq.s32 s7, s2  }
0x1e: {  	s7 =	smul.u32 @!p0 $0xF7A, s2;
	p2 =	seq.s32 @!p0 s5, $0x0  }
0x1f: {  	s9 =	smul.u32 $0xF7A, s1;
	s8 =	simm.s32 @!p0 $0x1BF5;
	p2 =	por !p2, p0  }
0x20: {  	[sflag:s8] =	ssyncset.s32 @!p0 $0xFFFFF086;
	s6 =	sadd.s32 @!p0 s3, s7;
	s7 =	simm.s32 @!p0 $0x108  }
0x21: {  	s3 =	sadd.s32 s3, s9;
	s6 =	sadd.s32 @!p0 $0x88, s6;
	s7 =	simm.s32 @p2 $0x1082  }
0x22: {  	[simem:s7], [sflag:s8] =	dma.local @!p0 [hbm:s6], $0xF7A  }
0x23: {  	s9 =	sor.u32 $0xD0000000, s2;
	s6 =	simm.s32 $0x108;
	_ =	swait.ge @!p0 [sflag:s8], $0x0  }
0x24: {  	s3 =	sadd.s32 $0x88, s3;
	s6 =	simm.s32 @!p1 $0x1082;
	[sflag:s4] =	ssyncset.s32 $0xFFFFF086  }
0x25: {  	[simem:s6], [sflag:s4] =	dma.local [hbm:s3], $0xF7A  }
0x26: {  	[smem:$0x3F9B] =	sst s1;
	(tag) =	ssettag s2;
	_ =	strace s9  }
0x27: {  	s1 =	sld [smem:$0x3FAB]  }
0x28: {  	s2 =	sld [smem:$0x3FAC]  }
0x29: {  	s4 =	sld [smem:$0x3FAE]  }
0x2a: {  	p0 =	seq.s32 s5, $0x0;
	s5 =	sld [smem:$0x3FAF]  }
0x2b: {  	s6 =	sld [smem:$0x3FB0]  }
0x2c: {  	s7 =	sld [smem:$0x3FB1]  }
0x2d: {  	s3 =	simm.s32 $0x108;
	s8 =	sld [smem:$0x3FB2]  }
0x2e: {  	s3 =	simm.s32 @!p0 $0x1082;
	s9 =	sld [smem:$0x3FB3]  }
0x2f: {  	lr =	sadd.s32 s0, s3;
	s0 =	sld [smem:$0x3FAA]  }
0x30: {  	s3 =	sld [smem:$0x3FAD]  }
0x31: {  	[smem:$0x3FB6] =	sst s10  }
0x32: {  	s10 =	sld [smem:$0x3FB4];
	_ =	sdelay $0x3  }
0x33: {  	p0 =	seq.s32 s10, $0x1;
	s10 =	sld [smem:$0x3FB6];
	_ =	sdelay $0x3  }
0x34: {  	[smem:$0x3FB6] =	sst s10  }
0x35: {  	s10 =	sld [smem:$0x3FB5];
	_ =	sdelay $0x3  }
0x36: {  	p1 =	seq.s32 s10, $0x1;
	s10 =	sld [smem:$0x3FB6];
	_ =	sdelay $0x3  }
0x37: {  	[smem:$0x3FB6] =	sst s10  }
0x38: {  	s10 =	sld [smem:$0x3FB7]  }
0x39: {  	_ = 	snop;
	(pc) =	sbr.ind lr, $3  }
0x3a: {  	_ = 	snop  }
0x3b: {  	_ = 	snop  }
0x3c: {  	p2 =	seq.s32 s10, $0x1;
	s10 =	sld [smem:$0x3FB6]  }
0x3d: {  	_ =	shalt  }
0x3e: {  	_ =	shalt  }
0x3f: {  	_ =	shalt  }
0x40: {  	_ =	shalt  }
0x41: {  	_ =	shalt  }
0x42: {  	_ =	shalt  }
0x43: {  	_ =	shalt  }
0x44: {  	_ =	shalt  }
0x45: {  	_ =	shalt  }
0x46: {  	_ =	shalt  }
0x47: {  	_ =	shalt  }
0x48: {  	_ =	shalt  }
0x49: {  	_ =	shalt  }
0x4a: {  	_ =	shalt  }
0x4b: {  	_ =	shalt  }
0x4c: {  	_ =	shalt  }
0x4d: {  	_ =	shalt  }
0x4e: {  	_ =	shalt  }
0x4f: {  	_ =	shalt  }
0x50: {  	_ =	shalt  }
0x51: {  	_ =	shalt  }
0x52: {  	_ =	shalt  }
0x53: {  	_ =	shalt  }
0x54: {  	_ =	shalt  }
0x55: {  	_ =	shalt  }
0x56: {  	_ =	shalt  }
0x57: {  	_ =	shalt  }
0x58: {  	_ =	shalt  }
0x59: {  	_ =	shalt  }
0x5a: {  	_ =	shalt  }
0x5b: {  	_ =	shalt  }
0x5c: {  	_ =	shalt  }
0x5d: {  	_ =	shalt  }
0x5e: {  	_ =	shalt  }
0x5f: {  	_ =	shalt  }
0x60: {  	_ =	shalt  }
0x61: {  	_ =	shalt  }
0x62: {  	_ =	shalt  }
0x63: {  	_ =	shalt  }
0x64: {  	_ =	shalt  }
0x65: {  	_ =	shalt  }
0x66: {  	_ =	shalt  }
0x67: {  	_ =	shalt  }
0x68: {  	_ =	shalt  }
0x69: {  	_ =	shalt  }
0x6a: {  	_ =	shalt  }
0x6b: {  	_ =	shalt  }
0x6c: {  	_ =	shalt  }
0x6d: {  	_ =	shalt  }
0x6e: {  	_ =	shalt  }
0x6f: {  	_ =	shalt  }
0x70: {  	_ =	shalt  }
0x71: {  	_ =	shalt  }
0x72: {  	_ =	shalt  }
0x73: {  	_ =	shalt  }
0x74: {  	_ =	shalt  }
0x75: {  	_ =	shalt  }
0x76: {  	_ =	shalt  }
0x77: {  	_ =	shalt  }
0x78: {  	_ =	shalt  }
0x79: {  	_ =	shalt  }
0x7a: {  	_ =	shalt  }
0x7b: {  	_ =	shalt  }
0x7c: {  	_ =	shalt  }
0x7d: {  	_ =	shalt  }
0x7e: {  	_ =	shalt  }
0x7f: {  	_ =	shalt  }
0x80: {  	_ =	shalt  }
0x81: {  	_ =	shalt  }
0x82: {  	_ =	shalt  }
0x83: {  	_ =	shalt  }
0x84: {  	_ =	shalt  }
0x85: {  	_ =	shalt  }
0x86: {  	_ =	shalt  }
0x87: {  	_ =	shalt  }
.Lfunc_end0:
.L_simem_size_0:
called_computation.1_lowered:
.L_overlay_start_0:
0x88: {  	s2 =	sld [smem:$0x3FD9]  }
0x89: {  	s3 =	sld [smem:$0x3FFE];
	_ =	sdelay $0x1  }
0x8a: {  	s1 =	srdreg.scid  }
0x8b: {  	s0 =	sand.u32 $0x1, s1  }
0x8c: {  	s17 =	sshll.u32 s0, $0xA;
	s2 =	sadd.s32 s3, s2  }
0x8d: {  	s2 =	sadd.s32 s2, s17  }
0x8e: {  	[smem:$0x3FC2] =	sst s2  }
0x8f: {  	_ = 	snop  }
0x90: {  	s2 =	sld [smem:$0x3FD0];
	(tm) =	ssettm $0x1  }
0x91: {  	s18 =	sld [smem:$0x3FFB];
	_ =	sdelay $0x3  }
0x92: {  	_ =	strace s18  }
0x93: {  	s3 =	sld [smem:$0x3FFC];
	_ =	sdelay $0x3  }
0x94: {  	_ =	strace s3  }
0x95: {  	s3 =	sld [smem:$0x3FFD];
	_ =	sdelay $0x3  }
0x96: {  	_ =	strace s3  }
0x97: {  	_ =	strace $0x8FFFFFFF  }
0x98: {  	s19 =	sld [smem:$0x3FDB];
	_ =	sdelay $0x1  }
0x99: {  	s4 =	simm.s32 $_scs_section_size  }
0x9a: {  	s5 =	simm.s32 $_size__tile_overlayer_lowered;
	s6 =	simm.s32 $_tile_overlayer_lowered  }
0x9b: {  	s22 =	simm.s32 $0x1BFF;
	s21 =	sshll.u32 s6, $0x1;
	s3 =	sadd.s32 s4, s19  }
0x9c: {  	s7 =	simm.s32 $0x0;
	s20 =	sshll.u32 s5, $0x1;
	s5 =	sadd.s32 s21, s3  }
0x9d: {  	[timem:s7], [sflag:s22] =	dma.local [hbm:s5], s20  }
0x9e: {  	_ =	swait.ge [sflag:s22], s20  }
0x9f: {  	s4 =	ssub.s32 $0x0, s20;
	[sflag:s22] =	ssyncset.done $0x0  }
0xa0: {  	[sflag:s22] =	ssyncadd.s32 s4;
	_ =	sdelay $0x1  }
0xa1: {  	s23 =	simm.s32 $0x1B8B  }
0xa2: {  	_ =	swait.ge [sflag:s23], $0x1  }
0xa3: {  	[sflag:s23] =	ssyncset.done $0x0  }
0xa4: {  	s25 =	simm.s32 $0x1B8E;
	s24 =	sld [smem:$0x3FFE];
	[sflag:s23] =	ssyncadd.s32 $0xFFFFFFFF  }
0xa5: {  	s26 =	simm.s32 $execute0_lowered;
	[smem:$0x3FD2] =	sst s25  }
0xa6: {  	s5 =	sshll.u32 s26, $0x1;
	_ =	strace $0x80000049;
	[dreg:$0x1] =	wrdreg $0xFFFFFFFF  }
0xa7: {  	s28 =	simm.s32 $_size_execute0_lowered;
	s3 =	sadd.s32 s3, s5;
	[dreg:$0x0] =	wrdreg $0x0  }
0xa8: {  	s5 =	sshll.u32 s28, $0x1;
	[dreg:$0x2] =	wrdreg s3  }
0xa9: {  	[dreg:$0x3] =	wrdreg s5  }
0xaa: {  	[dreg:$0x4] =	wrdreg $0xC0  }
0xab: {  	_ =	task [dreg:s7], $0x5FFFF  }
0xac: {  	[dreg:$0x1] =	wrdreg $0xFFFFFFFF  }
0xad: {  	[dreg:$0x0] =	wrdreg $0x60  }
0xae: {  	[dreg:$0x2] =	wrdreg s24  }
0xaf: {  	[dreg:$0x3] =	wrdreg s2  }
0xb0: {  	[dreg:$0x4] =	wrdreg $0x0  }
0xb1: {  	[dreg:$0x5] =	wrdreg $0x9  }
0xb2: {  	_ =	task.clear_ibuf [dreg:s7], $0x6FFFF;
	_ =	strace $0x90000049  }
0xb3: {  	s29 =	simm.s32 $0x9;
	_ =	strace $0x8000004B  }
0xb4: {  	_ =	swait.ge [sflag:s29], $0x1  }
0xb5: {  	[sflag:s29] =	ssyncadd.s32 $0xFFFFFFFF  }
0xb6: {  	_ =	strace $0x9000004B  }
0xb7: {  	_ =	sfence  }
0xb8: {  	s30 =	sld [smem:$0x0];
	_ =	sdelay $0x2  }
0xb9: {  	s31 =	sshll.u32 s1, $0xD;
	s1 =	sshrl.u32 s1, $0x2  }
0xba: {  	s3 =	sand.u32 $0x4000, s31;
	s1 =	sadd.s32 s1, s30  }
0xbb: {  	s0 =	sor.u32 s3, s0;
	s1 =	sshll.u32 s1, $0x11  }
0xbc: {  	s0 =	sor.u32 s1, s0  }
0xbd: {  	s0 =	sadd.s32 $0x8F2B, s0  }
0xbe: {  	[sflag:s0] =	ssyncadd.remote.s32 $0x1  }
0xbf: {  	_ =	sfence.sel $0xFFFF  }
0xc0: {  	[dreg:$0x0] =	wrdreg $0xFFFFFFFF;
	(pc) =	sbr.abs _section_cstart, $3  }
0xc1: {  	[dreg:$0x1] =	wrdreg $0xFFFFFFFF  }
0xc2: {  	_ =	task.clear_ibuf [dreg:s7], $0x2FFFF;
	_ =	strace $0x9FFFFFFF  }
0xc3: {  	(tm) =	ssettm $0x7FFFFFFF  }
tec
execute0_lowered:
.L_overlay_start_1:
0x0: {  	(tag) =	ssettag $0x1  }
0x1: {  	s0 =	rddreg [dreg:$0x0]  }
0x2: {  	s1 =	rddreg [dreg:$0x1]  }
0x3: {  	s3 =	srdreg.scid;
	s2 =	rddreg [dreg:$0x2]  }
0x4: {  	s25 =	stileid.u32;
	s4 =	simm.s32 $0x0;
	s16 =	simm.s32 $0x16800  }
0x5: {  	s17 =	simm.s32 $0x5;
	s18 =	simm.s32 $0x14000;
	s19 =	simm.s32 $0x15400  }
0x6: {  	s20 =	simm.s32 $0x80;
	s21 =	simm.s32 $0x14080;
	s22 =	simm.s32 $0x1A800  }
0x7: {  	s23 =	simm.s32 $0x1;
	s24 =	simm.s32 $0x2;
	s28 =	simm.s32 $0x16700  }
0x8: {  	s29 =	simm.s32 $0x16780;
	s30 =	simm.s32 $0x0;
	s7 =	smul.u32 $0x14000, s25  }
0x9: {  	s5 =	sand.u32 $0x1, s3;
	[smem:$0x7FF] =	sst s4;
	s26 =	smul.u32 $0x50000, s25  }
0xa: {  	s4 =	sadd.s32 $0xC200, s0;
	s12 =	sadd.s32 $0x1800, s0;
	s6 =	smul.u32 $0x140000, s5  }
0xb: {  	_ =	strace $0x8000004A;
	s31 =	ssub.s32 $0x2, s5;
	s5 =	sshll.u32 s5, $0x4  }
0xc: {  	s8 =	sshrl.u32 s31, $0x1;
	s9 =	sor.u32 s25, s5;
	s25 =	simm.s32 $0x3  }
0xd: {  	s6 =	sadd.s32 s7, s6;
	s7 =	sshrl.u32 s26, $0x2;
	s10 =	smul.u32 $0x2800, s9  }
0xe: {  	s15 =	ssub.s32 s31, s8;
	s11 =	smul.u32 $0x500, s9;
	s26 =	simm.s32 $0x4  }
0xf: {  	s6 =	sshrl.u32 s6, $0x3;
	s5 =	sadd.s32 s7, s2;
	s15 =	smax.u32 s15, $0x1  }
0x10: {  	s0 =	sadd.s32 s6, s0;
	s6 =	sadd.s32 $0x4000, s5;
	s7 =	sadd.s32 $0x8000, s5  }
0x11: {  	s8 =	sadd.s32 $0xC000, s5;
	s9 =	sadd.s32 $0x10000, s5;
	s13 =	sshrl.u32 s10, $0x3  }
0x12: {  	s10 =	sadd.s32 s12, s11;
	s11 =	sadd.s32 s1, s11;
	s13 =	sadd.s32 $0x280, s13  }
0x13: {  	v0 =	vimm.f32 $0.0e+00;
	s14 =	sadd.s32 $0x34200, s0;
	s12 =	sadd.s32 s12, s13;
	s13 =	sadd.s32 s1, s13  }
.LBB2_1:
0x14: {  	s1 =	simm.s32 $0x0  }
0x15: {  	s0 =	sand.u32 $0xFE00, s1  }
0x16: {  	s1 =	sand.u32 $0x70, s1;
	s0 =	sshrl.u32 s0, $0x2  }
0x17: {  	s31 =	simm.s32 $0x40;
	s1 =	sor.u32 s1, s0;
	s0 =	simm.s32 $0x0  }
.LBB2_2:
0x18: {  	p0 =	sne.s32 s31, $0xFFC0  }
0x19: {  	[tilespmem:s1+$0x16800] =	vst v0;
	s0 =	sadd.s32 $0x10, s0;
	s1 =	smov.u32 s31;
	s31 =	sadd.s32 $0x40, s31  }
.Ltmp0:
0x1a: {  	(pc) =	sbr.rel @p0 .LBB2_2-.Ltmp0, $4  }
0x1b: {  	_ = 	snop  }
0x1c: {  	s1 =	sand.u32 $0xFE00, s1  }
0x1d: {  	s3 =	sand.u32 $0x70, s0;
	s1 =	sshrl.u32 s1, $0x2  }
0x1e: {  	s1 =	sor.u32 s3, s1  }
0x1f: {  	[tilespmem:s1+$0x16800] =	vst v0  }
0x20: {  	[spmem:s5] =	stream.linear.scatter [tilespmem:s16], [sflag:$0x5], $0x4000, $0x38;
	[tilespmem:$0x1E800] =	vst v63  }
0x21: {  	_ =	swait.ge [sflag:s17], $0x4000  }
0x22: {  	[sflag:s17] =	ssyncset.done $0x0  }
0x23: {  	[sflag:s17] =	ssyncadd.s32 $0xFFFFC000  }
0x24: {  	[spmem:s6] =	stream.linear.scatter [tilespmem:s16], [sflag:$0x5], $0x4000, $0x38;
	[tilespmem:$0x1E800] =	vst v63  }
0x25: {  	_ =	swait.ge [sflag:s17], $0x4000  }
0x26: {  	[sflag:s17] =	ssyncset.done $0x0  }
0x27: {  	[sflag:s17] =	ssyncadd.s32 $0xFFFFC000  }
0x28: {  	[spmem:s7] =	stream.linear.scatter [tilespmem:s16], [sflag:$0x5], $0x4000, $0x38;
	[tilespmem:$0x1E800] =	vst v63  }
0x29: {  	_ =	swait.ge [sflag:s17], $0x4000  }
0x2a: {  	[sflag:s17] =	ssyncset.done $0x0  }
0x2b: {  	[sflag:s17] =	ssyncadd.s32 $0xFFFFC000  }
0x2c: {  	[spmem:s8] =	stream.linear.scatter [tilespmem:s16], [sflag:$0x5], $0x4000, $0x38;
	[tilespmem:$0x1E800] =	vst v63  }
0x2d: {  	_ =	swait.ge [sflag:s17], $0x4000  }
0x2e: {  	[sflag:s17] =	ssyncset.done $0x0  }
0x2f: {  	[sflag:s17] =	ssyncadd.s32 $0xFFFFC000  }
0x30: {  	[spmem:s9] =	stream.linear.scatter [tilespmem:s16], [sflag:$0x5], $0x4000, $0x38;
	[tilespmem:$0x1E800] =	vst v63  }
0x31: {  	_ =	swait.ge [sflag:s17], $0x4000  }
0x32: {  	[sflag:s17] =	ssyncset.done $0x0  }
0x33: {  	[sflag:s17] =	ssyncadd.s32 $0xFFFFC000  }
0x34: {  	s0 =	simm.s32 $0x0;
	[bflag:$0x0] =	sbarrier.arrive $0xFFFF  }
0x35: {  	[tilespmem:s18], [sflag:$0x5] =	stream.linear.gather [hbm4b:s10+s0], $0x1400, $0x38;
	[tilespmem:$0x1E800] =	vst v63  }
0x36: {  	_ =	swait.ge [sflag:s17], $0x1400  }
0x37: {  	[sflag:s17] =	ssyncset.done $0x0  }
0x38: {  	[sflag:s17] =	ssyncadd.s32 $0xFFFFEC00  }
0x39: {  	[tilespmem:s19], [sflag:$0x5] =	stream.linear.gather [hbm4b:s11+s0], $0x1400, $0x38;
	[tilespmem:$0x1E800] =	vst v63  }
0x3a: {  	_ =	swait.ge [sflag:s17], $0x1400  }
0x3b: {  	[sflag:s17] =	ssyncset.done $0x0  }
0x3c: {  	[sflag:s17] =	ssyncadd.s32 $0xFFFFEC00  }
0x3d: {  	[tilespmem:s16], [sflag:$0x1] =	stream.indirect.gather [hbm4b:s4+s20], $0x80, s18, s20, $0xb8;
	[tilespmem:$0x1E800] =	vst v63  }
0x3e: {  	_ = 	snop  }
0x3f: {  	[tilespmem:s22], [sflag:$0x2] =	stream.indirect.gather [hbm4b:s4+s20], $0x80, s21, s20, $0xb8;
	[tilespmem:$0x1E800] =	vst v63  }
0x40: {  	_ =	swait.ge [sflag:s23], $0x4000  }
0x41: {  	[sflag:s23] =	ssyncset.done $0x0  }
0x42: {  	s3 =	simm.s32 $0x15400;
	[sflag:s23] =	ssyncadd.s32 $0xFFFFC000  }
0x43: {  	[spmem:s2] =	stream.indirect.scatter.add.f32 [tilespmem:s16], [sflag:$0x3], $0x80, s3, s20, $0xb8;
	[tilespmem:$0x1E800] =	vst v63  }
0x44: {  	_ =	swait.ge [sflag:s24], $0x4000  }
0x45: {  	[sflag:s24] =	ssyncset.done $0x0  }
0x46: {  	s1 =	simm.s32 $0x15480;
	[sflag:s24] =	ssyncadd.s32 $0xFFFFC000  }
0x47: {  	[spmem:s2] =	stream.indirect.scatter.add.f32 [tilespmem:s22], [sflag:$0x4], $0x80, s1, s20, $0xb8;
	[tilespmem:$0x1E800] =	vst v63  }
0x48: {  	_ =	swait.ge [sflag:s25], $0x4000  }
0x49: {  	[sflag:s25] =	ssyncset.done $0x0  }
0x4a: {  	s3 =	simm.s32 $0x14100;
	[sflag:s25] =	ssyncadd.s32 $0xFFFFC000  }
0x4b: {  	[tilespmem:s16], [sflag:$0x1] =	stream.indirect.gather [hbm4b:s4+s20], $0x80, s3, s20, $0xb8;
	[tilespmem:$0x1E800] =	vst v63  }
0x4c: {  	_ =	swait.ge [sflag:s26], $0x4000  }
0x4d: {  	[sflag:s26] =	ssyncset.done $0x0  }
0x4e: {  	s31 =	simm.s32 $0x400;
	s0 =	simm.s32 $0x14180;
	[sflag:s26] =	ssyncadd.s32 $0xFFFFC000  }
.LBB2_4:
0x4f: {  	[tilespmem:s22], [sflag:$0x2] =	stream.indirect.gather [hbm4b:s4+s20], $0x80, s0, s20, $0xb8;
	[tilespmem:$0x1E800] =	vst v63  }
0x50: {  	s0 =	smov.u32 s31  }
0x51: {  	p0 =	sne.s32 s31, $0x4800;
	s31 =	sadd.s32 $0x400, s31;
	_ =	swait.ge [sflag:s23], $0x4000  }
0x52: {  	s0 =	sshra.s32 s0, $0x2;
	[sflag:s23] =	ssyncset.done $0x0  }
0x53: {  	s1 =	sadd.s32 $0x15400, s0;
	[sflag:s23] =	ssyncadd.s32 $0xFFFFC000  }
0x54: {  	[spmem:s2] =	stream.indirect.scatter.add.f32 [tilespmem:s16], [sflag:$0x3], $0x80, s1, s20, $0xb8;
	[tilespmem:$0x1E800] =	vst v63  }
0x55: {  	_ =	swait.ge [sflag:s24], $0x4000  }
0x56: {  	[sflag:s24] =	ssyncset.done $0x0  }
0x57: {  	s1 =	sadd.s32 $0x15480, s0;
	[sflag:s24] =	ssyncadd.s32 $0xFFFFC000  }
0x58: {  	[spmem:s2] =	stream.indirect.scatter.add.f32 [tilespmem:s22], [sflag:$0x4], $0x80, s1, s20, $0xb8;
	[tilespmem:$0x1E800] =	vst v63  }
0x59: {  	_ =	swait.ge [sflag:s25], $0x4000  }
0x5a: {  	[sflag:s25] =	ssyncset.done $0x0  }
.Ltmp1:
0x5b: {  	s1 =	sadd.s32 $0x14100, s0;
	[sflag:s25] =	ssyncadd.s32 $0xFFFFC000;
	(pc) =	sbr.rel @p0 .LBB2_4-.Ltmp1, $4  }
0x5c: {  	[tilespmem:s16], [sflag:$0x1] =	stream.indirect.gather [hbm4b:s4+s20], $0x80, s1, s20, $0xb8;
	[tilespmem:$0x1E800] =	vst v63  }
0x5d: {  	_ =	swait.ge [sflag:s26], $0x4000  }
0x5e: {  	[sflag:s26] =	ssyncset.done $0x0  }
0x5f: {  	s0 =	sadd.s32 $0x14180, s0;
	[sflag:s26] =	ssyncadd.s32 $0xFFFFC000  }
0x60: {  	[tilespmem:s22], [sflag:$0x2] =	stream.indirect.gather [hbm4b:s4+s20], $0x80, s0, s20, $0xb8;
	[tilespmem:$0x1E800] =	vst v63  }
0x61: {  	_ =	swait.ge [sflag:s23], $0x4000  }
0x62: {  	[sflag:s23] =	ssyncset.done $0x0  }
0x63: {  	[sflag:s23] =	ssyncadd.s32 $0xFFFFC000  }
0x64: {  	[spmem:s2] =	stream.indirect.scatter.add.f32 [tilespmem:s16], [sflag:$0x3], $0x80, s28, s20, $0xb8;
	[tilespmem:$0x1E800] =	vst v63  }
0x65: {  	_ =	swait.ge [sflag:s24], $0x4000  }
0x66: {  	[sflag:s24] =	ssyncset.done $0x0  }
0x67: {  	[sflag:s24] =	ssyncadd.s32 $0xFFFFC000  }
0x68: {  	[spmem:s2] =	stream.indirect.scatter.add.f32 [tilespmem:s22], [sflag:$0x4], $0x80, s29, s20, $0xb8;
	[tilespmem:$0x1E800] =	vst v63  }
0x69: {  	_ =	swait.ge [sflag:s25], $0x4000  }
0x6a: {  	[sflag:s25] =	ssyncset.done $0x0  }
0x6b: {  	[sflag:s25] =	ssyncadd.s32 $0xFFFFC000  }
0x6c: {  	_ =	swait.ge [sflag:s26], $0x4000  }
0x6d: {  	[sflag:s26] =	ssyncset.done $0x0  }
0x6e: {  	s1 =	simm.s32 $0x0;
	[sflag:s26] =	ssyncadd.s32 $0xFFFFC000  }
0x6f: {  	[tilespmem:s18], [sflag:$0x5] =	stream.linear.gather [hbm4b:s12+s1], $0x1400, $0x38;
	[tilespmem:$0x1E800] =	vst v63  }
0x70: {  	_ =	swait.ge [sflag:s17], $0x1400  }
0x71: {  	[sflag:s17] =	ssyncset.done $0x0  }
0x72: {  	[sflag:s17] =	ssyncadd.s32 $0xFFFFEC00  }
0x73: {  	[tilespmem:s19], [sflag:$0x5] =	stream.linear.gather [hbm4b:s13+s1], $0x1400, $0x38;
	[tilespmem:$0x1E800] =	vst v63  }
0x74: {  	_ =	swait.ge [sflag:s17], $0x1400  }
0x75: {  	[sflag:s17] =	ssyncset.done $0x0  }
0x76: {  	[sflag:s17] =	ssyncadd.s32 $0xFFFFEC00  }
0x77: {  	[tilespmem:s16], [sflag:$0x1] =	stream.indirect.gather [hbm4b:s4+s20], $0x80, s18, s20, $0xb8;
	[tilespmem:$0x1E800] =	vst v63  }
0x78: {  	_ = 	snop  }
0x79: {  	[tilespmem:s22], [sflag:$0x2] =	stream.indirect.gather [hbm4b:s4+s20], $0x80, s21, s20, $0xb8;
	[tilespmem:$0x1E800] =	vst v63  }
0x7a: {  	_ =	swait.ge [sflag:s23], $0x4000  }
0x7b: {  	[sflag:s23] =	ssyncset.done $0x0  }
0x7c: {  	s3 =	simm.s32 $0x15400;
	[sflag:s23] =	ssyncadd.s32 $0xFFFFC000  }
0x7d: {  	[spmem:s2] =	stream.indirect.scatter.add.f32 [tilespmem:s16], [sflag:$0x3], $0x80, s3, s20, $0xb8;
	[tilespmem:$0x1E800] =	vst v63  }
0x7e: {  	_ =	swait.ge [sflag:s24], $0x4000  }
0x7f: {  	[sflag:s24] =	ssyncset.done $0x0  }
0x80: {  	s1 =	simm.s32 $0x15480;
	[sflag:s24] =	ssyncadd.s32 $0xFFFFC000  }
0x81: {  	[spmem:s2] =	stream.indirect.scatter.add.f32 [tilespmem:s22], [sflag:$0x4], $0x80, s1, s20, $0xb8;
	[tilespmem:$0x1E800] =	vst v63  }
0x82: {  	_ =	swait.ge [sflag:s25], $0x4000  }
0x83: {  	[sflag:s25] =	ssyncset.done $0x0  }
0x84: {  	s3 =	simm.s32 $0x14100;
	[sflag:s25] =	ssyncadd.s32 $0xFFFFC000  }
0x85: {  	[tilespmem:s16], [sflag:$0x1] =	stream.indirect.gather [hbm4b:s4+s20], $0x80, s3, s20, $0xb8;
	[tilespmem:$0x1E800] =	vst v63  }
0x86: {  	_ =	swait.ge [sflag:s26], $0x4000  }
0x87: {  	[sflag:s26] =	ssyncset.done $0x0  }
0x88: {  	s31 =	simm.s32 $0x400;
	s0 =	simm.s32 $0x14180;
	[sflag:s26] =	ssyncadd.s32 $0xFFFFC000  }
.LBB2_6:
0x89: {  	[tilespmem:s22], [sflag:$0x2] =	stream.indirect.gather [hbm4b:s4+s20], $0x80, s0, s20, $0xb8;
	[tilespmem:$0x1E800] =	vst v63  }
0x8a: {  	s0 =	smov.u32 s31  }
0x8b: {  	p0 =	sne.s32 s31, $0x4800;
	s31 =	sadd.s32 $0x400, s31;
	_ =	swait.ge [sflag:s23], $0x4000  }
0x8c: {  	s0 =	sshra.s32 s0, $0x2;
	[sflag:s23] =	ssyncset.done $0x0  }
0x8d: {  	s1 =	sadd.s32 $0x15400, s0;
	[sflag:s23] =	ssyncadd.s32 $0xFFFFC000  }
0x8e: {  	[spmem:s2] =	stream.indirect.scatter.add.f32 [tilespmem:s16], [sflag:$0x3], $0x80, s1, s20, $0xb8;
	[tilespmem:$0x1E800] =	vst v63  }
0x8f: {  	_ =	swait.ge [sflag:s24], $0x4000  }
0x90: {  	[sflag:s24] =	ssyncset.done $0x0  }
0x91: {  	s1 =	sadd.s32 $0x15480, s0;
	[sflag:s24] =	ssyncadd.s32 $0xFFFFC000  }
0x92: {  	[spmem:s2] =	stream.indirect.scatter.add.f32 [tilespmem:s22], [sflag:$0x4], $0x80, s1, s20, $0xb8;
	[tilespmem:$0x1E800] =	vst v63  }
0x93: {  	_ =	swait.ge [sflag:s25], $0x4000  }
0x94: {  	[sflag:s25] =	ssyncset.done $0x0  }
.Ltmp2:
0x95: {  	s1 =	sadd.s32 $0x14100, s0;
	[sflag:s25] =	ssyncadd.s32 $0xFFFFC000;
	(pc) =	sbr.rel @p0 .LBB2_6-.Ltmp2, $4  }
0x96: {  	[tilespmem:s16], [sflag:$0x1] =	stream.indirect.gather [hbm4b:s4+s20], $0x80, s1, s20, $0xb8;
	[tilespmem:$0x1E800] =	vst v63  }
0x97: {  	_ =	swait.ge [sflag:s26], $0x4000  }
0x98: {  	[sflag:s26] =	ssyncset.done $0x0  }
0x99: {  	s0 =	sadd.s32 $0x14180, s0;
	[sflag:s26] =	ssyncadd.s32 $0xFFFFC000  }
0x9a: {  	[tilespmem:s22], [sflag:$0x2] =	stream.indirect.gather [hbm4b:s4+s20], $0x80, s0, s20, $0xb8;
	[tilespmem:$0x1E800] =	vst v63  }
0x9b: {  	_ =	swait.ge [sflag:s23], $0x4000  }
0x9c: {  	[sflag:s23] =	ssyncset.done $0x0  }
0x9d: {  	[sflag:s23] =	ssyncadd.s32 $0xFFFFC000  }
0x9e: {  	[spmem:s2] =	stream.indirect.scatter.add.f32 [tilespmem:s16], [sflag:$0x3], $0x80, s28, s20, $0xb8;
	[tilespmem:$0x1E800] =	vst v63  }
0x9f: {  	_ =	swait.ge [sflag:s24], $0x4000  }
0xa0: {  	[sflag:s24] =	ssyncset.done $0x0  }
0xa1: {  	[sflag:s24] =	ssyncadd.s32 $0xFFFFC000  }
0xa2: {  	[spmem:s2] =	stream.indirect.scatter.add.f32 [tilespmem:s22], [sflag:$0x4], $0x80, s29, s20, $0xb8;
	[tilespmem:$0x1E800] =	vst v63  }
0xa3: {  	_ =	swait.ge [sflag:s25], $0x4000  }
0xa4: {  	[sflag:s25] =	ssyncset.done $0x0  }
0xa5: {  	[sflag:s25] =	ssyncadd.s32 $0xFFFFC000  }
0xa6: {  	s31 =	stileid.u32;
	_ =	swait.ge [sflag:s26], $0x4000  }
0xa7: {  	s1 =	sshrl.u32 s5, $0x3;
	s30 =	sadd.s32 $0x1, s30;
	[sflag:s26] =	ssyncset.done $0x0  }
0xa8: {  	s0 =	sshll.u32 s31, $0x6;
	p0 =	sne.s32 s30, s15;
	[sflag:s26] =	ssyncadd.s32 $0xFFFFC000  }
.Ltmp3:
0xa9: {  	s0 =	sor.u32 $0x1C05, s0;
	[bflag:$0x0] =	sbarrier.arrive $0xFFFF;
	(pc) =	sbr.rel @p0 .LBB2_1-.Ltmp3, $4  }
0xaa: {  	[hbm:s14], [sflag:s0] =	dma.local [spmem:s1], $0x2800  }
0xab: {  	_ =	swait.ge [sflag:s17], $0x2800  }
0xac: {  	[sflag:s17] =	ssyncset.done $0x0  }
0xad: {  	[sflag:s17] =	ssyncadd.s32 $0xFFFFD800  }
0xae: {  	_ =	sfence.sel $0x180000  }
0xaf: {  	[bflag:$0x0] =	sbarrier.arrive $0xFFFF  }
0xb0: {  	_ =	strace $0x9000004A  }
0xb1: {  	s0 =	stileid.u32;
	[bflag:$0x2] =	sbarrier.arrive $0xFFFF  }
0xb2: {  	p0 =	sne.s32 s0, $0x0;
	s0 =	rddreg [dreg:$0x3]  }
0xb3: {  	s0 =	sadd.s32 @!p0 $0x100000, s0  }
0xb4: {  	[sflag:s0] =	ssyncadd.tile.s32 @!p0 $0x1;
	_ =	shalt  }
.Lfunc_end2:
_tile_overlayer_lowered:
.L_overlay_start_2:
0xb5: {  	(tag) =	ssettag $0x2  }
0xb6: {  	s0 =	rddreg [dreg:$0x0];
	s2 =	stileid.u32  }
0xb7: {  	s1 =	rddreg [dreg:$0x1];
	p0 =	sne.s32 s2, $0x0  }
0xb8: {  	s3 =	rddreg [dreg:$0x2];
	[bflag:$0x3] =	sbarrier.arrive $0xFFFF;
	s2 =	simm.s32 @!p0 $0x1C05  }
0xb9: {  	[timem:s3], [sflag:s2] =	dma.local @!p0 [hbm:s0], s1  }
0xba: {  	s0 =	simm.s32 @!p0 $0x5  }
0xbb: {  	_ =	swait.ge @!p0 [sflag:s0], s1  }
0xbc: {  	s1 =	ssub.s32 @!p0 $0x0, s1;
	[sflag:s0] =	ssyncset.done @!p0 $0x0  }
0xbd: {  	[sflag:s0] =	ssyncadd.s32 @!p0 s1  }
0xbe: {  	[bflag:$0x3] =	sbarrier.arrive $0xFFFF  }
0xbf: {  	_ =	shalt  }

</sc_bundles>
